<compile_context>
chip_gen: v7x
topology: tpu7x:2x2x1
jax: 0.10.2.dev20260603
libtpu: 0.0.44.dev20260713+nightly
codegen_flags: <defaults>
</compile_context>

<pallas_src>
import functools

import jax
import jax.numpy as jnp
from jax import lax
from jax.experimental import pallas as pl
from jax.experimental.pallas import tpu as pltpu
from jax.experimental.pallas import tpu_sc as plsc

N = 10000
E = 320000
D = 128
S = 9

NC = 2
NS = 16
L = 16
NW = NC * NS

EPW = E // NW
CHUNK = 128
NSTEPS = EPW // CHUNK
REME = EPW - NSTEPS * CHUNK
RPS = 624
REMR = N - NS * RPS
ZROWS = 156



def _sc_agg_body(table, gidx, dsts, zrows, out,
                 gidx_v, dst0_v, dst1_v, dstr_v, rows0_v, rows1_v, acc_sh,
                 sem0, sem1, semd0, semd1):
    cid = lax.axis_index("c")
    sid = lax.axis_index("s")
    wid = cid * NS + sid
    ebase = wid * EPW

    pltpu.sync_copy(gidx.at[pl.ds(ebase, EPW)], gidx_v)

    def _gather(c, buf, sem):
        return pltpu.make_async_copy(
            table.at[gidx_v.at[pl.ds(c * CHUNK, CHUNK)]], buf, sem)

    def _dstcp(c, buf, sem):
        return pltpu.make_async_copy(
            dsts.at[pl.ds(E + ebase + c * CHUNK, CHUNK)], buf, sem)

    def _scatter(buf, dbuf):
        pltpu.sync_copy(buf, acc_sh.at[dbuf], add=True)

    _gather(0, rows0_v, sem0).start()
    _dstcp(0, dst0_v, semd0).start()
    pltpu.sync_copy(zrows, acc_sh.at[pl.ds(sid * RPS, RPS)])

    @pl.when(sid == 0)
    def _zero_rem():
        pltpu.sync_copy(zrows.at[pl.ds(0, REMR)],
                        acc_sh.at[pl.ds(NS * RPS, REMR)])
    plsc.subcore_barrier()


    def _step(k, carry):
        c0 = 2 * k
        _gather(c0, rows0_v, sem0).wait()
        _dstcp(c0, dst0_v, semd0).wait()
        _gather(c0 + 1, rows1_v, sem1).start()
        _dstcp(c0 + 1, dst1_v, semd1).start()
        _scatter(rows0_v, dst0_v)

        @pl.when(c0 + 2 < NSTEPS)
        def _pref():
            _gather(c0 + 2, rows0_v, sem0).start()
            _dstcp(c0 + 2, dst0_v, semd0).start()
        _gather(c0 + 1, rows1_v, sem1).wait()
        _dstcp(c0 + 1, dst1_v, semd1).wait()
        _scatter(rows1_v, dst1_v)
        return carry
    lax.fori_loop(0, NSTEPS // 2, _step, 0)

    rsl = pl.ds(0, REME)
    pltpu.sync_copy(dsts.at[pl.ds(E + ebase + NSTEPS * CHUNK, REME)], dstr_v)
    pltpu.async_copy(table.at[gidx_v.at[pl.ds(NSTEPS * CHUNK, REME)]],
                     rows0_v.at[rsl], sem0).wait()
    pltpu.sync_copy(rows0_v.at[rsl], acc_sh.at[dstr_v], add=True)

    plsc.subcore_barrier()
    pltpu.sync_copy(acc_sh.at[pl.ds(sid * RPS, RPS)],
                    out.at[cid, pl.ds(sid * RPS, RPS)])

    @pl.when(sid == 0)
    def _out_rem():
        pltpu.sync_copy(acc_sh.at[pl.ds(NS * RPS, REMR)],
                        out.at[cid, pl.ds(NS * RPS, REMR)])


def _sc_agg(table, gidx, dsts, zrows):
    mesh = plsc.VectorSubcoreMesh(core_axis_name="c", subcore_axis_name="s")
    f = functools.partial(
        pl.kernel,
        mesh=mesh,
        out_type=jax.ShapeDtypeStruct((NC, N, D), jnp.float32),
        scratch_types=[
            pltpu.VMEM((EPW,), jnp.int32),
            pltpu.VMEM((CHUNK,), jnp.int32),
            pltpu.VMEM((CHUNK,), jnp.int32),
            pltpu.VMEM((REME,), jnp.int32),
            pltpu.VMEM((CHUNK, D), jnp.float32),
            pltpu.VMEM((CHUNK, D), jnp.float32),
            pltpu.VMEM_SHARED((N, D), jnp.float32),
            pltpu.SemaphoreType.DMA,
            pltpu.SemaphoreType.DMA,
            pltpu.SemaphoreType.DMA,
            pltpu.SemaphoreType.DMA,
        ],
    )(_sc_agg_body)
    return f(table, gidx, dsts, zrows)



BM = 2000
NB = N // BM


def _elu(x):
    return jnp.where(x > 0, x, jnp.exp(jnp.minimum(x, 0.0)) - 1.0)


def _mm_body(x_ref, w_ref, o_ref):
    acc = jnp.dot(x_ref[...], w_ref[...], preferred_element_type=jnp.float32)
    for s in range(S):
        o_ref[s] = acc[:, s * D:(s + 1) * D]


def _mm_table(h, Wr):
    return pl.pallas_call(
        _mm_body,
        grid=(NB,),
        in_specs=[
            pl.BlockSpec((BM, D), lambda i: (i, 0)),
            pl.BlockSpec((D, S * D), lambda i: (0, 0)),
        ],
        out_specs=pl.BlockSpec((S, BM, D), lambda i: (0, i, 0)),
        out_shape=jax.ShapeDtypeStruct((S, N, D), jnp.float32),
    )(h, Wr)




def _bn_mm_body(parts_ref, b_ref, g_ref, be_ref, w_ref, o_ref,
                stat_ref, h_ref):
    p = pl.program_id(0)
    i = pl.program_id(1)
    rows = pl.ds(i * BM, BM)

    @pl.when(p == 0)
    def _acc():
        a = parts_ref[0] + parts_ref[1] + b_ref[...]
        h_ref[rows, :] = a

        @pl.when(i == 0)
        def _init():
            stat_ref[...] = jnp.zeros_like(stat_ref)
        stat_ref[0:1, :] += jnp.sum(a, axis=0, keepdims=True)
        stat_ref[1:2, :] += jnp.sum(a * a, axis=0, keepdims=True)

    @pl.when(p == 1)
    def _norm_mm():
        m = stat_ref[0:1, :] / N
        v = stat_ref[1:2, :] / N - m * m
        h = _elu(g_ref[...] * (h_ref[rows, :] - m) * lax.rsqrt(v + 1e-5)
                 + be_ref[...])
        h_ref[rows, :] = h
        acc = jnp.dot(h, w_ref[...], preferred_element_type=jnp.float32)
        for s in range(S):
            o_ref[s] = acc[:, s * D:(s + 1) * D]


def _bn_mm(parts, b, g, be, Wr):
    vspec = pl.BlockSpec((1, D), lambda p, i: (0, 0))
    return pl.pallas_call(
        _bn_mm_body,
        grid=(2, NB),
        in_specs=[
            pl.BlockSpec((NC, BM, D),
                         lambda p, i: (0, jnp.where(p == 0, i, 0), 0)),
            vspec, vspec, vspec,
            pl.BlockSpec((D, S * D), lambda p, i: (0, 0)),
        ],
        out_specs=pl.BlockSpec(
            (S, BM, D), lambda p, i: (0, jnp.where(p == 1, i, 0), 0)),
        out_shape=jax.ShapeDtypeStruct((S, N, D), jnp.float32),
        scratch_shapes=[
            pltpu.VMEM((2, D), jnp.float32),
            pltpu.VMEM((N, D), jnp.float32),
        ],
    )(parts, b.reshape(1, D), g.reshape(1, D), be.reshape(1, D), Wr)




BF = 2000
NBF = N // BF


def _final_body(parts_ref, b2_ref, g2_ref, be2_ref, x_ref, w3_ref, b3_ref,
                g3_ref, be3_ref, o_ref, s2_ref, s3_ref, y_ref):
    p = pl.program_id(0)
    i = pl.program_id(1)
    rows = pl.ds(i * BF, BF)

    @pl.when(p == 0)
    def _acc2():
        a = parts_ref[0] + parts_ref[1] + b2_ref[...]
        y_ref[rows, :] = a

        @pl.when(i == 0)
        def _init():
            s2_ref[...] = jnp.zeros_like(s2_ref)
            s3_ref[...] = jnp.zeros_like(s3_ref)
        s2_ref[0:1, :] += jnp.sum(a, axis=0, keepdims=True)
        s2_ref[1:2, :] += jnp.sum(a * a, axis=0, keepdims=True)

    @pl.when(p == 1)
    def _mk_y():
        m = s2_ref[0:1, :] / N
        v = s2_ref[1:2, :] / N - m * m
        h2 = _elu(g2_ref[...] * (y_ref[rows, :] - m) * lax.rsqrt(v + 1e-5)
                  + be2_ref[...])
        y = h2 + jnp.dot(x_ref[...], w3_ref[...],
                         preferred_element_type=jnp.float32) + b3_ref[...]
        y_ref[rows, :] = y
        s3_ref[0:1, :] += jnp.sum(y, axis=0, keepdims=True)
        s3_ref[1:2, :] += jnp.sum(y * y, axis=0, keepdims=True)

    @pl.when(p == 2)
    def _apply():
        m = s3_ref[0:1, :] / N
        v = s3_ref[1:2, :] / N - m * m
        o_ref[...] = _elu(g3_ref[...] * (y_ref[rows, :] - m)
                          * lax.rsqrt(v + 1e-5) + be3_ref[...])


def _final(parts, b2, g2, be2, x, W3, b3, g3, be3):
    vecs = [v.reshape(1, D) for v in (b2, g2, be2, b3, g3, be3)]
    vspec = pl.BlockSpec((1, D), lambda p, i: (0, 0))
    return pl.pallas_call(
        _final_body,
        grid=(3, NBF),
        in_specs=[
            pl.BlockSpec((NC, BF, D),
                         lambda p, i: (0, jnp.where(p == 0, i, 0), 0)),
            vspec, vspec, vspec,
            pl.BlockSpec((BF, D), lambda p, i: (jnp.where(p == 1, i, 0), 0)),
            pl.BlockSpec((D, D), lambda p, i: (0, 0)),
            vspec, vspec, vspec,
        ],
        out_specs=pl.BlockSpec(
            (BF, D), lambda p, i: (jnp.where(p == 2, i, 0), 0)),
        out_shape=jax.ShapeDtypeStruct((N, D), jnp.float32),
        scratch_shapes=[
            pltpu.VMEM((2, D), jnp.float32),
            pltpu.VMEM((2, D), jnp.float32),
            pltpu.VMEM((N, D), jnp.float32),
        ],
    )(parts, vecs[0], vecs[1], vecs[2], x, W3, vecs[3], vecs[4], vecs[5])




def kernel(x, edge_index, selections, W1, b1, g1, be1, W2, b2, g2, be2,
           W3, b3, g3, be3):
    ei = edge_index.reshape(2 * E).astype(jnp.int32)
    sel = selections.astype(jnp.int32)
    gidx = sel * N + ei[:E]

    zrows = jnp.zeros((RPS, D), jnp.float32)

    Wr1 = W1.transpose(1, 0, 2).reshape(D, S * D)
    Wr2 = W2.transpose(1, 0, 2).reshape(D, S * D)

    table1 = _mm_table(x, Wr1).reshape(S * N, D)
    parts1 = _sc_agg(table1, gidx, ei, zrows)
    table2 = _bn_mm(parts1, b1, g1, be1, Wr2).reshape(S * N, D)
    parts2 = _sc_agg(table2, gidx, ei, zrows)
    return _final(parts2, b2, g2, be2, x, W3, b3, g3, be3)

# --- scband reference (transcript-rebuilt; emitter-appended) ---
"""Pipeline reference for scband-resconv-basic-43516608643443 (READ-ONLY COPY).

The authoritative reference and input builder live on the scoring server;
editing this copy changes nothing except your own understanding.
"""

import jax, jax.numpy as jnp
import numpy as np

N = 10000
E = 320000
DIN = 128
DOUT = 128
S = 9  # kernel_size=3 -> 9 selection directions


def setup_inputs(seed: int = 0) -> dict:
    key = jax.random.key(seed)
    ks = jax.random.split(key, 16)
    x = jax.random.normal(ks[0], (N, DIN), dtype=jnp.float32)
    edge_index = jax.random.randint(ks[1], (2, E), 0, N, dtype=jnp.int64)
    selections = jax.random.randint(ks[2], (E,), 0, S, dtype=jnp.int64)
    # conv1: SelectionConv(128,128,k=3) + BN
    W1 = jax.random.normal(ks[3], (S, DIN, DOUT), dtype=jnp.float32) * (1.0 / np.sqrt(DIN))
    b1 = jnp.zeros((DOUT,), dtype=jnp.float32)
    g1 = jnp.ones((DOUT,), dtype=jnp.float32)
    be1 = jnp.zeros((DOUT,), dtype=jnp.float32)
    # conv2: SelectionConv(128,128,k=3) + BN
    W2 = jax.random.normal(ks[4], (S, DOUT, DOUT), dtype=jnp.float32) * (1.0 / np.sqrt(DOUT))
    b2 = jnp.zeros((DOUT,), dtype=jnp.float32)
    g2 = jnp.ones((DOUT,), dtype=jnp.float32)
    be2 = jnp.zeros((DOUT,), dtype=jnp.float32)
    # conv3: SelectionConv(128,128,k=1) == pointwise 1x1 linear on nodes
    W3 = jax.random.normal(ks[5], (DIN, DOUT), dtype=jnp.float32) * (1.0 / np.sqrt(DIN))
    b3 = jnp.zeros((DOUT,), dtype=jnp.float32)
    # final BatchNorm
    g3 = jnp.ones((DOUT,), dtype=jnp.float32)
    be3 = jnp.zeros((DOUT,), dtype=jnp.float32)
    return {
        "x": x, "edge_index": edge_index, "selections": selections,
        "W1": W1, "b1": b1, "g1": g1, "be1": be1,
        "W2": W2, "b2": b2, "g2": g2, "be2": be2,
        "W3": W3, "b3": b3, "g3": g3, "be3": be3,
    }


def _selection_conv(x, edge_index, selections, W, b):
    # Per-selection weight matrices; transform node features once per selection,
    # gather per-edge by (src, selection), scatter-add into dst.
    xw = jnp.einsum('nd,sdf->nsf', x, W)  # [N, S, DOUT]
    msg = xw[edge_index[0], selections]    # [E, DOUT] gather
    out = jax.ops.segment_sum(msg, edge_index[1], num_segments=x.shape[0])  # scatter-add
    return out + b


def _batch_norm(x, g, b, eps=1e-5):
    m = jnp.mean(x, axis=0)
    v = jnp.var(x, axis=0)
    return g * (x - m) / jnp.sqrt(v + eps) + b


def reference(x, edge_index, selections, W1, b1, g1, be1, W2, b2, g2, be2, W3, b3, g3, be3):
    # conv1 block: SelectionConv -> BN -> ELU
    h = _selection_conv(x, edge_index, selections, W1, b1)
    h = jax.nn.elu(_batch_norm(h, g1, be1))
    # conv2 block: SelectionConv -> BN -> ELU
    h = _selection_conv(h, edge_index, selections, W2, b2)
    h = jax.nn.elu(_batch_norm(h, g2, be2))
    # shortcut: 1x1 SelectionConv (pointwise linear)
    shortcut = x @ W3 + b3
    # residual add -> BN -> ELU
    out = jax.nn.elu(_batch_norm(h + shortcut, g3, be3))
    return out

if __name__ == "__main__":
    import jax
    _d = setup_inputs()
    print(jax.jit(kernel)(*tuple(_d.values())))

</pallas_src>

<mosaic_0001>
#map = affine_map<(d0, d1) -> (0, 0)>
#map1 = affine_map<(d0, d1) -> (0)>
#map2 = affine_map<(d0, d1) -> (0, 0, 0)>
module attributes {stable_mosaic.version = 14 : i64} {
  func.func @_sc_agg_body(%arg0: i32, %arg1: i32, %arg2: memref<90000x128xf32, #tpu.memory_space<hbm>>, %arg3: memref<320000xi32, #tpu.memory_space<hbm>>, %arg4: memref<640000xi32, #tpu.memory_space<hbm>>, %arg5: memref<624x128xf32, #tpu.memory_space<hbm>>, %arg6: memref<2x10000x128xf32, #tpu.memory_space<hbm>>, %arg7: memref<10000xi32, #tpu.memory_space<vmem>>, %arg8: memref<128xi32, #tpu.memory_space<vmem>>, %arg9: memref<128xi32, #tpu.memory_space<vmem>>, %arg10: memref<16xi32, #tpu.memory_space<vmem>>, %arg11: memref<128x128xf32, #tpu.memory_space<vmem>>, %arg12: memref<128x128xf32, #tpu.memory_space<vmem>>, %arg13: memref<10000x128xf32, #tpu.memory_space<vmem_shared>>, %arg14: memref<!tpu.dma_semaphore, #tpu.memory_space<semaphore_mem>>, %arg15: memref<!tpu.dma_semaphore, #tpu.memory_space<semaphore_mem>>, %arg16: memref<!tpu.dma_semaphore, #tpu.memory_space<semaphore_mem>>, %arg17: memref<!tpu.dma_semaphore, #tpu.memory_space<semaphore_mem>>) attributes {dimension_semantics = [#tpu.dimension_semantics<core_parallel>, #tpu.dimension_semantics<subcore_parallel>], iteration_bounds = array<i64: 2, 16>, scalar_prefetch = 0 : i64, scratch_operands = 11 : i64, tpu.core_type = #tpu.core_type<sc_vector_subcore>, window_params = [{transform_indices = #map}, {transform_indices = #map1}, {transform_indices = #map1}, {transform_indices = #map}, {transform_indices = #map2}]} {
    %mul3A = arith.constant 16 : i32
    %mul3A_0 = arith.muli %arg0, %mul3A : i32
    %add3A = arith.addi %mul3A_0, %arg1 : i32
    %mul3A_1 = arith.constant 10000 : i32
    %mul3A_2 = arith.muli %add3A, %mul3A_1 : i32
    "tpu.region"() ({
      %run_scoped3A = tpu.sem_alloc : memref<!tpu.dma_semaphore, #tpu.memory_space<semaphore_mem>>
      %dma_start3A_51 = tpu.memref_slice %arg3[%mul3A_2] : memref<320000xi32, #tpu.memory_space<hbm>> -> memref<10000xi32, #tpu.memory_space<hbm>>
      %dma_start3A_52 = tpu.memref_slice %arg3[%mul3A_2] : memref<320000xi32, #tpu.memory_space<hbm>> -> memref<10000xi32, #tpu.memory_space<hbm>>
      tpu.enqueue_dma source(%dma_start3A_52 : memref<10000xi32, #tpu.memory_space<hbm>>) target(%arg7 : memref<10000xi32, #tpu.memory_space<vmem>>) target_semaphore(%run_scoped3A : memref<!tpu.dma_semaphore, #tpu.memory_space<semaphore_mem>>)
      %dma_wait3A_53 = tpu.memref_slice %arg3[%mul3A_2] : memref<320000xi32, #tpu.memory_space<hbm>> -> memref<10000xi32, #tpu.memory_space<hbm>>
      %dma_wait3A_54 = tpu.memref_slice %arg3[%mul3A_2] : memref<320000xi32, #tpu.memory_space<hbm>> -> memref<10000xi32, #tpu.memory_space<hbm>>
      tpu.wait_dma2 semaphore(%run_scoped3A : memref<!tpu.dma_semaphore, #tpu.memory_space<semaphore_mem>>) src(%dma_wait3A_54 : memref<10000xi32, #tpu.memory_space<hbm>>) dst(%arg7 : memref<10000xi32, #tpu.memory_space<vmem>>)
      tpu.yield
    }) : () -> ()
    %dma_start3A = arith.constant 0 : i32
    %dma_start3A_3 = tpu.memref_slice %arg7[%dma_start3A] : memref<10000xi32, #tpu.memory_space<vmem>> -> memref<128xi32, #tpu.memory_space<vmem>>
    %dma_start3A_4 = arith.constant 0 : i32
    %dma_start3A_5 = arith.constant 0 : i32
    %dma_start3A_6 = tpu.memref_slice %arg2[%dma_start3A_4, %dma_start3A_5] : memref<90000x128xf32, #tpu.memory_space<hbm>> -> memref<90000x128xf32, #tpu.memory_space<hbm>>
    tpu.enqueue_indirect_dma source(%dma_start3A_6 : memref<90000x128xf32, #tpu.memory_space<hbm>>) target(%arg11 : memref<128x128xf32, #tpu.memory_space<vmem>>) offsets(%dma_start3A_3 : memref<128xi32, #tpu.memory_space<vmem>>) semaphore(%arg14 : memref<!tpu.dma_semaphore, #tpu.memory_space<semaphore_mem>>)
    %add3A_7 = arith.constant 320000 : i32
    %add3A_8 = arith.addi %add3A_7, %mul3A_2 : i32
    %add3A_9 = arith.constant 0 : i32
    %add3A_10 = arith.addi %add3A_8, %add3A_9 : i32
    %dma_start3A_11 = tpu.memref_slice %arg4[%add3A_10] : memref<640000xi32, #tpu.memory_space<hbm>> -> memref<128xi32, #tpu.memory_space<hbm>>
    %dma_start3A_12 = tpu.memref_slice %arg4[%add3A_10] : memref<640000xi32, #tpu.memory_space<hbm>> -> memref<128xi32, #tpu.memory_space<hbm>>
    tpu.enqueue_dma source(%dma_start3A_12 : memref<128xi32, #tpu.memory_space<hbm>>) target(%arg8 : memref<128xi32, #tpu.memory_space<vmem>>) target_semaphore(%arg16 : memref<!tpu.dma_semaphore, #tpu.memory_space<semaphore_mem>>)
    %mul3A_13 = arith.constant 624 : i32
    %mul3A_14 = arith.muli %arg1, %mul3A_13 : i32
    "tpu.region"() ({
      %run_scoped3A = tpu.sem_alloc : memref<!tpu.dma_semaphore, #tpu.memory_space<semaphore_mem>>
      %dma_start3A_51 = arith.constant 0 : i32
      %dma_start3A_52 = tpu.memref_slice %arg13[%mul3A_14, %dma_start3A_51] : memref<10000x128xf32, #tpu.memory_space<vmem_shared>> -> memref<624x128xf32, #tpu.memory_space<vmem_shared>>
      tpu.enqueue_dma source(%arg5 : memref<624x128xf32, #tpu.memory_space<hbm>>) target(%dma_start3A_52 : memref<624x128xf32, #tpu.memory_space<vmem_shared>>) target_semaphore(%run_scoped3A : memref<!tpu.dma_semaphore, #tpu.memory_space<semaphore_mem>>)
      %dma_wait3A_53 = arith.constant 0 : i32
      %dma_wait3A_54 = tpu.memref_slice %arg13[%mul3A_14, %dma_wait3A_53] : memref<10000x128xf32, #tpu.memory_space<vmem_shared>> -> memref<624x128xf32, #tpu.memory_space<vmem_shared>>
      tpu.wait_dma2 semaphore(%run_scoped3A : memref<!tpu.dma_semaphore, #tpu.memory_space<semaphore_mem>>) src(%arg5 : memref<624x128xf32, #tpu.memory_space<hbm>>) dst(%dma_wait3A_54 : memref<624x128xf32, #tpu.memory_space<vmem_shared>>)
      tpu.yield
    }) : () -> ()
    %eq3A = arith.constant 0 : i32
    %eq3A_15 = arith.cmpi eq, %arg1, %eq3A : i32
    %convert_element_type3A = arith.extui %eq3A_15 : i1 to i32
    %cond3A = arith.constant 0 : i32
    %cond3A_16 = arith.cmpi ne, %convert_element_type3A, %cond3A : i32
    scf.if %cond3A_16 {
      "tpu.region"() ({
        %run_scoped3A = tpu.sem_alloc : memref<!tpu.dma_semaphore, #tpu.memory_space<semaphore_mem>>
        %dma_start3A_51 = arith.constant 9984 : i32
        %dma_start3A_52 = arith.constant 0 : i32
        %dma_start3A_53 = tpu.memref_slice %arg13[%dma_start3A_51, %dma_start3A_52] : memref<10000x128xf32, #tpu.memory_space<vmem_shared>> -> memref<16x128xf32, #tpu.memory_space<vmem_shared>>
        %dma_start3A_54 = arith.constant 0 : i32
        %dma_start3A_55 = arith.constant 0 : i32
        %dma_start3A_56 = tpu.memref_slice %arg5[%dma_start3A_54, %dma_start3A_55] : memref<624x128xf32, #tpu.memory_space<hbm>> -> memref<16x128xf32, #tpu.memory_space<hbm>>
        tpu.enqueue_dma source(%dma_start3A_56 : memref<16x128xf32, #tpu.memory_space<hbm>>) target(%dma_start3A_53 : memref<16x128xf32, #tpu.memory_space<vmem_shared>>) target_semaphore(%run_scoped3A : memref<!tpu.dma_semaphore, #tpu.memory_space<semaphore_mem>>)
        %dma_wait3A_57 = arith.constant 9984 : i32
        %dma_wait3A_58 = arith.constant 0 : i32
        %dma_wait3A_59 = tpu.memref_slice %arg13[%dma_wait3A_57, %dma_wait3A_58] : memref<10000x128xf32, #tpu.memory_space<vmem_shared>> -> memref<16x128xf32, #tpu.memory_space<vmem_shared>>
        %dma_wait3A_60 = arith.constant 0 : i32
        %dma_wait3A_61 = arith.constant 0 : i32
        %dma_wait3A_62 = tpu.memref_slice %arg5[%dma_wait3A_60, %dma_wait3A_61] : memref<624x128xf32, #tpu.memory_space<hbm>> -> memref<16x128xf32, #tpu.memory_space<hbm>>
        tpu.wait_dma2 semaphore(%run_scoped3A : memref<!tpu.dma_semaphore, #tpu.memory_space<semaphore_mem>>) src(%dma_wait3A_62 : memref<16x128xf32, #tpu.memory_space<hbm>>) dst(%dma_wait3A_59 : memref<16x128xf32, #tpu.memory_space<vmem_shared>>)
        tpu.yield
      }) : () -> ()
    } else {
    }
    %barrier3A = arith.constant 0 : index
    tpu.barrier barrier_id(%barrier3A)
    %scan3A = arith.constant 0 : i32
    %scan3A_17 = arith.constant 0 : i32
    %scan3A_18 = arith.constant 39 : i32
    %scan3A_19 = arith.addi %scan3A_17, %scan3A_18 : i32
    %scan3A_20 = arith.constant 1 : i32
    scf.for %scan3A_51 = %scan3A_17 to %scan3A_19 step %scan3A_20  : i32 {
      %mul3A_52 = arith.constant 2 : i32
      %mul3A_53 = arith.muli %mul3A_52, %scan3A_51 : i32
      %mul3A_54 = arith.constant 128 : i32
      %mul3A_55 = arith.muli %mul3A_53, %mul3A_54 : i32
      %dma_wait3A_56 = tpu.memref_slice %arg7[%mul3A_55] : memref<10000xi32, #tpu.memory_space<vmem>> -> memref<128xi32, #tpu.memory_space<vmem>>
      %dma_wait3A_57 = arith.constant 0 : i32
      %dma_wait3A_58 = arith.constant 0 : i32
      %dma_wait3A_59 = tpu.memref_slice %arg2[%dma_wait3A_57, %dma_wait3A_58] : memref<90000x128xf32, #tpu.memory_space<hbm>> -> memref<90000x128xf32, #tpu.memory_space<hbm>>
      tpu.wait_indirect_dma semaphore(%arg14 : memref<!tpu.dma_semaphore, #tpu.memory_space<semaphore_mem>>) src(%dma_wait3A_59 : memref<90000x128xf32, #tpu.memory_space<hbm>>) dst(%arg11 : memref<128x128xf32, #tpu.memory_space<vmem>>)
      %add3A_60 = arith.constant 320000 : i32
      %add3A_61 = arith.addi %add3A_60, %mul3A_2 : i32
      %mul3A_62 = arith.constant 128 : i32
      %mul3A_63 = arith.muli %mul3A_53, %mul3A_62 : i32
      %add3A_64 = arith.addi %add3A_61, %mul3A_63 : i32
      %dma_wait3A_65 = tpu.memref_slice %arg4[%add3A_64] : memref<640000xi32, #tpu.memory_space<hbm>> -> memref<128xi32, #tpu.memory_space<hbm>>
      %dma_wait3A_66 = tpu.memref_slice %arg4[%add3A_64] : memref<640000xi32, #tpu.memory_space<hbm>> -> memref<128xi32, #tpu.memory_space<hbm>>
      tpu.wait_dma2 semaphore(%arg16 : memref<!tpu.dma_semaphore, #tpu.memory_space<semaphore_mem>>) src(%dma_wait3A_66 : memref<128xi32, #tpu.memory_space<hbm>>) dst(%arg8 : memref<128xi32, #tpu.memory_space<vmem>>)
      %add3A_67 = arith.constant 1 : i32
      %add3A_68 = arith.addi %mul3A_53, %add3A_67 : i32
      %mul3A_69 = arith.constant 128 : i32
      %mul3A_70 = arith.muli %add3A_68, %mul3A_69 : i32
      %dma_start3A_71 = tpu.memref_slice %arg7[%mul3A_70] : memref<10000xi32, #tpu.memory_space<vmem>> -> memref<128xi32, #tpu.memory_space<vmem>>
      %dma_start3A_72 = arith.constant 0 : i32
      %dma_start3A_73 = arith.constant 0 : i32
      %dma_start3A_74 = tpu.memref_slice %arg2[%dma_start3A_72, %dma_start3A_73] : memref<90000x128xf32, #tpu.memory_space<hbm>> -> memref<90000x128xf32, #tpu.memory_space<hbm>>
      tpu.enqueue_indirect_dma source(%dma_start3A_74 : memref<90000x128xf32, #tpu.memory_space<hbm>>) target(%arg12 : memref<128x128xf32, #tpu.memory_space<vmem>>) offsets(%dma_start3A_71 : memref<128xi32, #tpu.memory_space<vmem>>) semaphore(%arg15 : memref<!tpu.dma_semaphore, #tpu.memory_space<semaphore_mem>>)
      %add3A_75 = arith.constant 1 : i32
      %add3A_76 = arith.addi %mul3A_53, %add3A_75 : i32
      %add3A_77 = arith.constant 320000 : i32
      %add3A_78 = arith.addi %add3A_77, %mul3A_2 : i32
      %mul3A_79 = arith.constant 128 : i32
      %mul3A_80 = arith.muli %add3A_76, %mul3A_79 : i32
      %add3A_81 = arith.addi %add3A_78, %mul3A_80 : i32
      %dma_start3A_82 = tpu.memref_slice %arg4[%add3A_81] : memref<640000xi32, #tpu.memory_space<hbm>> -> memref<128xi32, #tpu.memory_space<hbm>>
      %dma_start3A_83 = tpu.memref_slice %arg4[%add3A_81] : memref<640000xi32, #tpu.memory_space<hbm>> -> memref<128xi32, #tpu.memory_space<hbm>>
      tpu.enqueue_dma source(%dma_start3A_83 : memref<128xi32, #tpu.memory_space<hbm>>) target(%arg9 : memref<128xi32, #tpu.memory_space<vmem>>) target_semaphore(%arg17 : memref<!tpu.dma_semaphore, #tpu.memory_space<semaphore_mem>>)
      "tpu.region"() ({
        %run_scoped3A = tpu.sem_alloc : memref<!tpu.dma_semaphore, #tpu.memory_space<semaphore_mem>>
        %dma_start3A_107 = arith.constant 0 : i32
        %dma_start3A_108 = arith.constant 0 : i32
        %dma_start3A_109 = tpu.memref_slice %arg13[%dma_start3A_107, %dma_start3A_108] : memref<10000x128xf32, #tpu.memory_space<vmem_shared>> -> memref<10000x128xf32, #tpu.memory_space<vmem_shared>>
        tpu.enqueue_indirect_dma source(%arg11 : memref<128x128xf32, #tpu.memory_space<vmem>>) target(%dma_start3A_109 : memref<10000x128xf32, #tpu.memory_space<vmem_shared>>) offsets(%arg8 : memref<128xi32, #tpu.memory_space<vmem>>) semaphore(%run_scoped3A : memref<!tpu.dma_semaphore, #tpu.memory_space<semaphore_mem>>) {add = true}
        %dma_wait3A_110 = arith.constant 0 : i32
        %dma_wait3A_111 = arith.constant 0 : i32
        %dma_wait3A_112 = tpu.memref_slice %arg13[%dma_wait3A_110, %dma_wait3A_111] : memref<10000x128xf32, #tpu.memory_space<vmem_shared>> -> memref<10000x128xf32, #tpu.memory_space<vmem_shared>>
        tpu.wait_indirect_dma semaphore(%run_scoped3A : memref<!tpu.dma_semaphore, #tpu.memory_space<semaphore_mem>>) src(%arg11 : memref<128x128xf32, #tpu.memory_space<vmem>>) dst(%dma_wait3A_112 : memref<10000x128xf32, #tpu.memory_space<vmem_shared>>)
        tpu.yield
      }) : () -> ()
      %add3A_84 = arith.constant 2 : i32
      %add3A_85 = arith.addi %mul3A_53, %add3A_84 : i32
      %lt3A = arith.constant 78 : i32
      %lt3A_86 = arith.cmpi slt, %add3A_85, %lt3A : i32
      %convert_element_type3A_87 = arith.extui %lt3A_86 : i1 to i32
      %cond3A_88 = arith.constant 0 : i32
      %cond3A_89 = arith.cmpi ne, %convert_element_type3A_87, %cond3A_88 : i32
      scf.if %cond3A_89 {
        %add3A_107 = arith.constant 2 : i32
        %add3A_108 = arith.addi %mul3A_53, %add3A_107 : i32
        %mul3A_109 = arith.constant 128 : i32
        %mul3A_110 = arith.muli %add3A_108, %mul3A_109 : i32
        %dma_start3A_111 = tpu.memref_slice %arg7[%mul3A_110] : memref<10000xi32, #tpu.memory_space<vmem>> -> memref<128xi32, #tpu.memory_space<vmem>>
        %dma_start3A_112 = arith.constant 0 : i32
        %dma_start3A_113 = arith.constant 0 : i32
        %dma_start3A_114 = tpu.memref_slice %arg2[%dma_start3A_112, %dma_start3A_113] : memref<90000x128xf32, #tpu.memory_space<hbm>> -> memref<90000x128xf32, #tpu.memory_space<hbm>>
        tpu.enqueue_indirect_dma source(%dma_start3A_114 : memref<90000x128xf32, #tpu.memory_space<hbm>>) target(%arg11 : memref<128x128xf32, #tpu.memory_space<vmem>>) offsets(%dma_start3A_111 : memref<128xi32, #tpu.memory_space<vmem>>) semaphore(%arg14 : memref<!tpu.dma_semaphore, #tpu.memory_space<semaphore_mem>>)
        %add3A_115 = arith.constant 2 : i32
        %add3A_116 = arith.addi %mul3A_53, %add3A_115 : i32
        %add3A_117 = arith.constant 320000 : i32
        %add3A_118 = arith.addi %add3A_117, %mul3A_2 : i32
        %mul3A_119 = arith.constant 128 : i32
        %mul3A_120 = arith.muli %add3A_116, %mul3A_119 : i32
        %add3A_121 = arith.addi %add3A_118, %mul3A_120 : i32
        %dma_start3A_122 = tpu.memref_slice %arg4[%add3A_121] : memref<640000xi32, #tpu.memory_space<hbm>> -> memref<128xi32, #tpu.memory_space<hbm>>
        %dma_start3A_123 = tpu.memref_slice %arg4[%add3A_121] : memref<640000xi32, #tpu.memory_space<hbm>> -> memref<128xi32, #tpu.memory_space<hbm>>
        tpu.enqueue_dma source(%dma_start3A_123 : memref<128xi32, #tpu.memory_space<hbm>>) target(%arg8 : memref<128xi32, #tpu.memory_space<vmem>>) target_semaphore(%arg16 : memref<!tpu.dma_semaphore, #tpu.memory_space<semaphore_mem>>)
      } else {
      }
      %add3A_90 = arith.constant 1 : i32
      %add3A_91 = arith.addi %mul3A_53, %add3A_90 : i32
      %mul3A_92 = arith.constant 128 : i32
      %mul3A_93 = arith.muli %add3A_91, %mul3A_92 : i32
      %dma_wait3A_94 = tpu.memref_slice %arg7[%mul3A_93] : memref<10000xi32, #tpu.memory_space<vmem>> -> memref<128xi32, #tpu.memory_space<vmem>>
      %dma_wait3A_95 = arith.constant 0 : i32
      %dma_wait3A_96 = arith.constant 0 : i32
      %dma_wait3A_97 = tpu.memref_slice %arg2[%dma_wait3A_95, %dma_wait3A_96] : memref<90000x128xf32, #tpu.memory_space<hbm>> -> memref<90000x128xf32, #tpu.memory_space<hbm>>
      tpu.wait_indirect_dma semaphore(%arg15 : memref<!tpu.dma_semaphore, #tpu.memory_space<semaphore_mem>>) src(%dma_wait3A_97 : memref<90000x128xf32, #tpu.memory_space<hbm>>) dst(%arg12 : memref<128x128xf32, #tpu.memory_space<vmem>>)
      %add3A_98 = arith.constant 1 : i32
      %add3A_99 = arith.addi %mul3A_53, %add3A_98 : i32
      %add3A_100 = arith.constant 320000 : i32
      %add3A_101 = arith.addi %add3A_100, %mul3A_2 : i32
      %mul3A_102 = arith.constant 128 : i32
      %mul3A_103 = arith.muli %add3A_99, %mul3A_102 : i32
      %add3A_104 = arith.addi %add3A_101, %mul3A_103 : i32
      %dma_wait3A_105 = tpu.memref_slice %arg4[%add3A_104] : memref<640000xi32, #tpu.memory_space<hbm>> -> memref<128xi32, #tpu.memory_space<hbm>>
      %dma_wait3A_106 = tpu.memref_slice %arg4[%add3A_104] : memref<640000xi32, #tpu.memory_space<hbm>> -> memref<128xi32, #tpu.memory_space<hbm>>
      tpu.wait_dma2 semaphore(%arg17 : memref<!tpu.dma_semaphore, #tpu.memory_space<semaphore_mem>>) src(%dma_wait3A_106 : memref<128xi32, #tpu.memory_space<hbm>>) dst(%arg9 : memref<128xi32, #tpu.memory_space<vmem>>)
      "tpu.region"() ({
        %run_scoped3A = tpu.sem_alloc : memref<!tpu.dma_semaphore, #tpu.memory_space<semaphore_mem>>
        %dma_start3A_107 = arith.constant 0 : i32
        %dma_start3A_108 = arith.constant 0 : i32
        %dma_start3A_109 = tpu.memref_slice %arg13[%dma_start3A_107, %dma_start3A_108] : memref<10000x128xf32, #tpu.memory_space<vmem_shared>> -> memref<10000x128xf32, #tpu.memory_space<vmem_shared>>
        tpu.enqueue_indirect_dma source(%arg12 : memref<128x128xf32, #tpu.memory_space<vmem>>) target(%dma_start3A_109 : memref<10000x128xf32, #tpu.memory_space<vmem_shared>>) offsets(%arg9 : memref<128xi32, #tpu.memory_space<vmem>>) semaphore(%run_scoped3A : memref<!tpu.dma_semaphore, #tpu.memory_space<semaphore_mem>>) {add = true}
        %dma_wait3A_110 = arith.constant 0 : i32
        %dma_wait3A_111 = arith.constant 0 : i32
        %dma_wait3A_112 = tpu.memref_slice %arg13[%dma_wait3A_110, %dma_wait3A_111] : memref<10000x128xf32, #tpu.memory_space<vmem_shared>> -> memref<10000x128xf32, #tpu.memory_space<vmem_shared>>
        tpu.wait_indirect_dma semaphore(%run_scoped3A : memref<!tpu.dma_semaphore, #tpu.memory_space<semaphore_mem>>) src(%arg12 : memref<128x128xf32, #tpu.memory_space<vmem>>) dst(%dma_wait3A_112 : memref<10000x128xf32, #tpu.memory_space<vmem_shared>>)
        tpu.yield
      }) : () -> ()
    }
    %scan3A_21 = arith.constant 39 : i32
    %add3A_22 = arith.constant 320000 : i32
    %add3A_23 = arith.addi %add3A_22, %mul3A_2 : i32
    %add3A_24 = arith.constant 9984 : i32
    %add3A_25 = arith.addi %add3A_23, %add3A_24 : i32
    "tpu.region"() ({
      %run_scoped3A = tpu.sem_alloc : memref<!tpu.dma_semaphore, #tpu.memory_space<semaphore_mem>>
      %dma_start3A_51 = tpu.memref_slice %arg4[%add3A_25] : memref<640000xi32, #tpu.memory_space<hbm>> -> memref<16xi32, #tpu.memory_space<hbm>>
      %dma_start3A_52 = tpu.memref_slice %arg4[%add3A_25] : memref<640000xi32, #tpu.memory_space<hbm>> -> memref<16xi32, #tpu.memory_space<hbm>>
      tpu.enqueue_dma source(%dma_start3A_52 : memref<16xi32, #tpu.memory_space<hbm>>) target(%arg10 : memref<16xi32, #tpu.memory_space<vmem>>) target_semaphore(%run_scoped3A : memref<!tpu.dma_semaphore, #tpu.memory_space<semaphore_mem>>)
      %dma_wait3A_53 = tpu.memref_slice %arg4[%add3A_25] : memref<640000xi32, #tpu.memory_space<hbm>> -> memref<16xi32, #tpu.memory_space<hbm>>
      %dma_wait3A_54 = tpu.memref_slice %arg4[%add3A_25] : memref<640000xi32, #tpu.memory_space<hbm>> -> memref<16xi32, #tpu.memory_space<hbm>>
      tpu.wait_dma2 semaphore(%run_scoped3A : memref<!tpu.dma_semaphore, #tpu.memory_space<semaphore_mem>>) src(%dma_wait3A_54 : memref<16xi32, #tpu.memory_space<hbm>>) dst(%arg10 : memref<16xi32, #tpu.memory_space<vmem>>)
      tpu.yield
    }) : () -> ()
    %dma_start3A_26 = arith.constant 0 : i32
    %dma_start3A_27 = arith.constant 0 : i32
    %dma_start3A_28 = tpu.memref_slice %arg11[%dma_start3A_26, %dma_start3A_27] : memref<128x128xf32, #tpu.memory_space<vmem>> -> memref<16x128xf32, #tpu.memory_space<vmem>>
    %dma_start3A_29 = arith.constant 9984 : i32
    %dma_start3A_30 = tpu.memref_slice %arg7[%dma_start3A_29] : memref<10000xi32, #tpu.memory_space<vmem>> -> memref<16xi32, #tpu.memory_space<vmem>>
    %dma_start3A_31 = arith.constant 0 : i32
    %dma_start3A_32 = arith.constant 0 : i32
    %dma_start3A_33 = tpu.memref_slice %arg2[%dma_start3A_31, %dma_start3A_32] : memref<90000x128xf32, #tpu.memory_space<hbm>> -> memref<90000x128xf32, #tpu.memory_space<hbm>>
    tpu.enqueue_indirect_dma source(%dma_start3A_33 : memref<90000x128xf32, #tpu.memory_space<hbm>>) target(%dma_start3A_28 : memref<16x128xf32, #tpu.memory_space<vmem>>) offsets(%dma_start3A_30 : memref<16xi32, #tpu.memory_space<vmem>>) semaphore(%arg14 : memref<!tpu.dma_semaphore, #tpu.memory_space<semaphore_mem>>)
    %dma_wait3A = arith.constant 0 : i32
    %dma_wait3A_34 = arith.constant 0 : i32
    %dma_wait3A_35 = tpu.memref_slice %arg11[%dma_wait3A, %dma_wait3A_34] : memref<128x128xf32, #tpu.memory_space<vmem>> -> memref<16x128xf32, #tpu.memory_space<vmem>>
    %dma_wait3A_36 = arith.constant 9984 : i32
    %dma_wait3A_37 = tpu.memref_slice %arg7[%dma_wait3A_36] : memref<10000xi32, #tpu.memory_space<vmem>> -> memref<16xi32, #tpu.memory_space<vmem>>
    %dma_wait3A_38 = arith.constant 0 : i32
    %dma_wait3A_39 = arith.constant 0 : i32
    %dma_wait3A_40 = tpu.memref_slice %arg2[%dma_wait3A_38, %dma_wait3A_39] : memref<90000x128xf32, #tpu.memory_space<hbm>> -> memref<90000x128xf32, #tpu.memory_space<hbm>>
    tpu.wait_indirect_dma semaphore(%arg14 : memref<!tpu.dma_semaphore, #tpu.memory_space<semaphore_mem>>) src(%dma_wait3A_40 : memref<90000x128xf32, #tpu.memory_space<hbm>>) dst(%dma_wait3A_35 : memref<16x128xf32, #tpu.memory_space<vmem>>)
    "tpu.region"() ({
      %run_scoped3A = tpu.sem_alloc : memref<!tpu.dma_semaphore, #tpu.memory_space<semaphore_mem>>
      %dma_start3A_51 = arith.constant 0 : i32
      %dma_start3A_52 = arith.constant 0 : i32
      %dma_start3A_53 = tpu.memref_slice %arg11[%dma_start3A_51, %dma_start3A_52] : memref<128x128xf32, #tpu.memory_space<vmem>> -> memref<16x128xf32, #tpu.memory_space<vmem>>
      %dma_start3A_54 = arith.constant 0 : i32
      %dma_start3A_55 = arith.constant 0 : i32
      %dma_start3A_56 = tpu.memref_slice %arg13[%dma_start3A_54, %dma_start3A_55] : memref<10000x128xf32, #tpu.memory_space<vmem_shared>> -> memref<10000x128xf32, #tpu.memory_space<vmem_shared>>
      tpu.enqueue_indirect_dma source(%dma_start3A_53 : memref<16x128xf32, #tpu.memory_space<vmem>>) target(%dma_start3A_56 : memref<10000x128xf32, #tpu.memory_space<vmem_shared>>) offsets(%arg10 : memref<16xi32, #tpu.memory_space<vmem>>) semaphore(%run_scoped3A : memref<!tpu.dma_semaphore, #tpu.memory_space<semaphore_mem>>) {add = true}
      %dma_wait3A_57 = arith.constant 0 : i32
      %dma_wait3A_58 = arith.constant 0 : i32
      %dma_wait3A_59 = tpu.memref_slice %arg11[%dma_wait3A_57, %dma_wait3A_58] : memref<128x128xf32, #tpu.memory_space<vmem>> -> memref<16x128xf32, #tpu.memory_space<vmem>>
      %dma_wait3A_60 = arith.constant 0 : i32
      %dma_wait3A_61 = arith.constant 0 : i32
      %dma_wait3A_62 = tpu.memref_slice %arg13[%dma_wait3A_60, %dma_wait3A_61] : memref<10000x128xf32, #tpu.memory_space<vmem_shared>> -> memref<10000x128xf32, #tpu.memory_space<vmem_shared>>
      tpu.wait_indirect_dma semaphore(%run_scoped3A : memref<!tpu.dma_semaphore, #tpu.memory_space<semaphore_mem>>) src(%dma_wait3A_59 : memref<16x128xf32, #tpu.memory_space<vmem>>) dst(%dma_wait3A_62 : memref<10000x128xf32, #tpu.memory_space<vmem_shared>>)
      tpu.yield
    }) : () -> ()
    %barrier3A_41 = arith.constant 0 : index
    tpu.barrier barrier_id(%barrier3A_41)
    %mul3A_42 = arith.constant 624 : i32
    %mul3A_43 = arith.muli %arg1, %mul3A_42 : i32
    %mul3A_44 = arith.constant 624 : i32
    %mul3A_45 = arith.muli %arg1, %mul3A_44 : i32
    "tpu.region"() ({
      %run_scoped3A = tpu.sem_alloc : memref<!tpu.dma_semaphore, #tpu.memory_space<semaphore_mem>>
      %dma_start3A_51 = arith.constant 0 : i32
      %dma_start3A_52 = tpu.memref_slice %arg6[%arg0, %mul3A_45, %dma_start3A_51] : memref<2x10000x128xf32, #tpu.memory_space<hbm>> -> memref<1x624x128xf32, #tpu.memory_space<hbm>>
      %dma_start3A_53 = tpu.memref_squeeze %dma_start3A_52 : memref<1x624x128xf32, #tpu.memory_space<hbm>> -> memref<624x128xf32, #tpu.memory_space<hbm>>
      %dma_start3A_54 = arith.constant 0 : i32
      %dma_start3A_55 = tpu.memref_slice %arg13[%mul3A_43, %dma_start3A_54] : memref<10000x128xf32, #tpu.memory_space<vmem_shared>> -> memref<624x128xf32, #tpu.memory_space<vmem_shared>>
      tpu.enqueue_dma source(%dma_start3A_55 : memref<624x128xf32, #tpu.memory_space<vmem_shared>>) target(%dma_start3A_53 : memref<624x128xf32, #tpu.memory_space<hbm>>) target_semaphore(%run_scoped3A : memref<!tpu.dma_semaphore, #tpu.memory_space<semaphore_mem>>)
      %dma_wait3A_56 = arith.constant 0 : i32
      %dma_wait3A_57 = tpu.memref_slice %arg6[%arg0, %mul3A_45, %dma_wait3A_56] : memref<2x10000x128xf32, #tpu.memory_space<hbm>> -> memref<1x624x128xf32, #tpu.memory_space<hbm>>
      %dma_wait3A_58 = tpu.memref_squeeze %dma_wait3A_57 : memref<1x624x128xf32, #tpu.memory_space<hbm>> -> memref<624x128xf32, #tpu.memory_space<hbm>>
      %dma_wait3A_59 = arith.constant 0 : i32
      %dma_wait3A_60 = tpu.memref_slice %arg13[%mul3A_43, %dma_wait3A_59] : memref<10000x128xf32, #tpu.memory_space<vmem_shared>> -> memref<624x128xf32, #tpu.memory_space<vmem_shared>>
      tpu.wait_dma2 semaphore(%run_scoped3A : memref<!tpu.dma_semaphore, #tpu.memory_space<semaphore_mem>>) src(%dma_wait3A_60 : memref<624x128xf32, #tpu.memory_space<vmem_shared>>) dst(%dma_wait3A_58 : memref<624x128xf32, #tpu.memory_space<hbm>>)
      tpu.yield
    }) : () -> ()
    %eq3A_46 = arith.constant 0 : i32
    %eq3A_47 = arith.cmpi eq, %arg1, %eq3A_46 : i32
    %convert_element_type3A_48 = arith.extui %eq3A_47 : i1 to i32
    %cond3A_49 = arith.constant 0 : i32
    %cond3A_50 = arith.cmpi ne, %convert_element_type3A_48, %cond3A_49 : i32
    scf.if %cond3A_50 {
      "tpu.region"() ({
        %run_scoped3A = tpu.sem_alloc : memref<!tpu.dma_semaphore, #tpu.memory_space<semaphore_mem>>
        %dma_start3A_51 = arith.constant 9984 : i32
        %dma_start3A_52 = arith.constant 0 : i32
        %dma_start3A_53 = tpu.memref_slice %arg6[%arg0, %dma_start3A_51, %dma_start3A_52] : memref<2x10000x128xf32, #tpu.memory_space<hbm>> -> memref<1x16x128xf32, #tpu.memory_space<hbm>>
        %dma_start3A_54 = tpu.memref_squeeze %dma_start3A_53 : memref<1x16x128xf32, #tpu.memory_space<hbm>> -> memref<16x128xf32, #tpu.memory_space<hbm>>
        %dma_start3A_55 = arith.constant 9984 : i32
        %dma_start3A_56 = arith.constant 0 : i32
        %dma_start3A_57 = tpu.memref_slice %arg13[%dma_start3A_55, %dma_start3A_56] : memref<10000x128xf32, #tpu.memory_space<vmem_shared>> -> memref<16x128xf32, #tpu.memory_space<vmem_shared>>
        tpu.enqueue_dma source(%dma_start3A_57 : memref<16x128xf32, #tpu.memory_space<vmem_shared>>) target(%dma_start3A_54 : memref<16x128xf32, #tpu.memory_space<hbm>>) target_semaphore(%run_scoped3A : memref<!tpu.dma_semaphore, #tpu.memory_space<semaphore_mem>>)
        %dma_wait3A_58 = arith.constant 9984 : i32
        %dma_wait3A_59 = arith.constant 0 : i32
        %dma_wait3A_60 = tpu.memref_slice %arg6[%arg0, %dma_wait3A_58, %dma_wait3A_59] : memref<2x10000x128xf32, #tpu.memory_space<hbm>> -> memref<1x16x128xf32, #tpu.memory_space<hbm>>
        %dma_wait3A_61 = tpu.memref_squeeze %dma_wait3A_60 : memref<1x16x128xf32, #tpu.memory_space<hbm>> -> memref<16x128xf32, #tpu.memory_space<hbm>>
        %dma_wait3A_62 = arith.constant 9984 : i32
        %dma_wait3A_63 = arith.constant 0 : i32
        %dma_wait3A_64 = tpu.memref_slice %arg13[%dma_wait3A_62, %dma_wait3A_63] : memref<10000x128xf32, #tpu.memory_space<vmem_shared>> -> memref<16x128xf32, #tpu.memory_space<vmem_shared>>
        tpu.wait_dma2 semaphore(%run_scoped3A : memref<!tpu.dma_semaphore, #tpu.memory_space<semaphore_mem>>) src(%dma_wait3A_64 : memref<16x128xf32, #tpu.memory_space<vmem_shared>>) dst(%dma_wait3A_61 : memref<16x128xf32, #tpu.memory_space<hbm>>)
        tpu.yield
      }) : () -> ()
    } else {
    }
    return
  }
}

#map = affine_map<(d0, d1) -> (0, 0)>
#map1 = affine_map<(d0, d1) -> (0)>
#map2 = affine_map<(d0, d1) -> (0, 0, 0)>
module attributes {stable_mosaic.version = 14 : i64} {
  func.func @_sc_agg_body(%arg0: i32, %arg1: i32, %arg2: memref<90000x128xf32, #tpu.memory_space<hbm>>, %arg3: memref<320000xi32, #tpu.memory_space<hbm>>, %arg4: memref<640000xi32, #tpu.memory_space<hbm>>, %arg5: memref<624x128xf32, #tpu.memory_space<hbm>>, %arg6: memref<2x10000x128xf32, #tpu.memory_space<hbm>>, %arg7: memref<10000xi32, #tpu.memory_space<vmem>>, %arg8: memref<128xi32, #tpu.memory_space<vmem>>, %arg9: memref<128xi32, #tpu.memory_space<vmem>>, %arg10: memref<16xi32, #tpu.memory_space<vmem>>, %arg11: memref<128x128xf32, #tpu.memory_space<vmem>>, %arg12: memref<128x128xf32, #tpu.memory_space<vmem>>, %arg13: memref<10000x128xf32, #tpu.memory_space<vmem_shared>>, %arg14: memref<!tpu.dma_semaphore, #tpu.memory_space<semaphore_mem>>, %arg15: memref<!tpu.dma_semaphore, #tpu.memory_space<semaphore_mem>>, %arg16: memref<!tpu.dma_semaphore, #tpu.memory_space<semaphore_mem>>, %arg17: memref<!tpu.dma_semaphore, #tpu.memory_space<semaphore_mem>>) attributes {dimension_semantics = [#tpu.dimension_semantics<core_parallel>, #tpu.dimension_semantics<subcore_parallel>], iteration_bounds = array<i64: 2, 16>, scalar_prefetch = 0 : i64, scratch_operands = 11 : i64, tpu.core_type = #tpu.core_type<sc_vector_subcore>, window_params = [{transform_indices = #map}, {transform_indices = #map1}, {transform_indices = #map1}, {transform_indices = #map}, {transform_indices = #map2}]} {
    %mul3A = arith.constant 16 : i32
    %mul3A_0 = arith.muli %arg0, %mul3A : i32
    %add3A = arith.addi %mul3A_0, %arg1 : i32
    %mul3A_1 = arith.constant 10000 : i32
    %mul3A_2 = arith.muli %add3A, %mul3A_1 : i32
    "tpu.region"() ({
      %run_scoped3A = tpu.sem_alloc : memref<!tpu.dma_semaphore, #tpu.memory_space<semaphore_mem>>
      %dma_start3A_51 = tpu.memref_slice %arg3[%mul3A_2] : memref<320000xi32, #tpu.memory_space<hbm>> -> memref<10000xi32, #tpu.memory_space<hbm>>
      %dma_start3A_52 = tpu.memref_slice %arg3[%mul3A_2] : memref<320000xi32, #tpu.memory_space<hbm>> -> memref<10000xi32, #tpu.memory_space<hbm>>
      tpu.enqueue_dma source(%dma_start3A_52 : memref<10000xi32, #tpu.memory_space<hbm>>) target(%arg7 : memref<10000xi32, #tpu.memory_space<vmem>>) target_semaphore(%run_scoped3A : memref<!tpu.dma_semaphore, #tpu.memory_space<semaphore_mem>>)
      %dma_wait3A_53 = tpu.memref_slice %arg3[%mul3A_2] : memref<320000xi32, #tpu.memory_space<hbm>> -> memref<10000xi32, #tpu.memory_space<hbm>>
      %dma_wait3A_54 = tpu.memref_slice %arg3[%mul3A_2] : memref<320000xi32, #tpu.memory_space<hbm>> -> memref<10000xi32, #tpu.memory_space<hbm>>
      tpu.wait_dma2 semaphore(%run_scoped3A : memref<!tpu.dma_semaphore, #tpu.memory_space<semaphore_mem>>) src(%dma_wait3A_54 : memref<10000xi32, #tpu.memory_space<hbm>>) dst(%arg7 : memref<10000xi32, #tpu.memory_space<vmem>>)
      tpu.yield
    }) : () -> ()
    %dma_start3A = arith.constant 0 : i32
    %dma_start3A_3 = tpu.memref_slice %arg7[%dma_start3A] : memref<10000xi32, #tpu.memory_space<vmem>> -> memref<128xi32, #tpu.memory_space<vmem>>
    %dma_start3A_4 = arith.constant 0 : i32
    %dma_start3A_5 = arith.constant 0 : i32
    %dma_start3A_6 = tpu.memref_slice %arg2[%dma_start3A_4, %dma_start3A_5] : memref<90000x128xf32, #tpu.memory_space<hbm>> -> memref<90000x128xf32, #tpu.memory_space<hbm>>
    tpu.enqueue_indirect_dma source(%dma_start3A_6 : memref<90000x128xf32, #tpu.memory_space<hbm>>) target(%arg11 : memref<128x128xf32, #tpu.memory_space<vmem>>) offsets(%dma_start3A_3 : memref<128xi32, #tpu.memory_space<vmem>>) semaphore(%arg14 : memref<!tpu.dma_semaphore, #tpu.memory_space<semaphore_mem>>)
    %add3A_7 = arith.constant 320000 : i32
    %add3A_8 = arith.addi %add3A_7, %mul3A_2 : i32
    %add3A_9 = arith.constant 0 : i32
    %add3A_10 = arith.addi %add3A_8, %add3A_9 : i32
    %dma_start3A_11 = tpu.memref_slice %arg4[%add3A_10] : memref<640000xi32, #tpu.memory_space<hbm>> -> memref<128xi32, #tpu.memory_space<hbm>>
    %dma_start3A_12 = tpu.memref_slice %arg4[%add3A_10] : memref<640000xi32, #tpu.memory_space<hbm>> -> memref<128xi32, #tpu.memory_space<hbm>>
    tpu.enqueue_dma source(%dma_start3A_12 : memref<128xi32, #tpu.memory_space<hbm>>) target(%arg8 : memref<128xi32, #tpu.memory_space<vmem>>) target_semaphore(%arg16 : memref<!tpu.dma_semaphore, #tpu.memory_space<semaphore_mem>>)
    %mul3A_13 = arith.constant 624 : i32
    %mul3A_14 = arith.muli %arg1, %mul3A_13 : i32
    "tpu.region"() ({
      %run_scoped3A = tpu.sem_alloc : memref<!tpu.dma_semaphore, #tpu.memory_space<semaphore_mem>>
      %dma_start3A_51 = arith.constant 0 : i32
      %dma_start3A_52 = tpu.memref_slice %arg13[%mul3A_14, %dma_start3A_51] : memref<10000x128xf32, #tpu.memory_space<vmem_shared>> -> memref<624x128xf32, #tpu.memory_space<vmem_shared>>
      tpu.enqueue_dma source(%arg5 : memref<624x128xf32, #tpu.memory_space<hbm>>) target(%dma_start3A_52 : memref<624x128xf32, #tpu.memory_space<vmem_shared>>) target_semaphore(%run_scoped3A : memref<!tpu.dma_semaphore, #tpu.memory_space<semaphore_mem>>)
      %dma_wait3A_53 = arith.constant 0 : i32
      %dma_wait3A_54 = tpu.memref_slice %arg13[%mul3A_14, %dma_wait3A_53] : memref<10000x128xf32, #tpu.memory_space<vmem_shared>> -> memref<624x128xf32, #tpu.memory_space<vmem_shared>>
      tpu.wait_dma2 semaphore(%run_scoped3A : memref<!tpu.dma_semaphore, #tpu.memory_space<semaphore_mem>>) src(%arg5 : memref<624x128xf32, #tpu.memory_space<hbm>>) dst(%dma_wait3A_54 : memref<624x128xf32, #tpu.memory_space<vmem_shared>>)
      tpu.yield
    }) : () -> ()
    %eq3A = arith.constant 0 : i32
    %eq3A_15 = arith.cmpi eq, %arg1, %eq3A : i32
    %convert_element_type3A = arith.extui %eq3A_15 : i1 to i32
    %cond3A = arith.constant 0 : i32
    %cond3A_16 = arith.cmpi ne, %convert_element_type3A, %cond3A : i32
    scf.if %cond3A_16 {
      "tpu.region"() ({
        %run_scoped3A = tpu.sem_alloc : memref<!tpu.dma_semaphore, #tpu.memory_space<semaphore_mem>>
        %dma_start3A_51 = arith.constant 9984 : i32
        %dma_start3A_52 = arith.constant 0 : i32
        %dma_start3A_53 = tpu.memref_slice %arg13[%dma_start3A_51, %dma_start3A_52] : memref<10000x128xf32, #tpu.memory_space<vmem_shared>> -> memref<16x128xf32, #tpu.memory_space<vmem_shared>>
        %dma_start3A_54 = arith.constant 0 : i32
        %dma_start3A_55 = arith.constant 0 : i32
        %dma_start3A_56 = tpu.memref_slice %arg5[%dma_start3A_54, %dma_start3A_55] : memref<624x128xf32, #tpu.memory_space<hbm>> -> memref<16x128xf32, #tpu.memory_space<hbm>>
        tpu.enqueue_dma source(%dma_start3A_56 : memref<16x128xf32, #tpu.memory_space<hbm>>) target(%dma_start3A_53 : memref<16x128xf32, #tpu.memory_space<vmem_shared>>) target_semaphore(%run_scoped3A : memref<!tpu.dma_semaphore, #tpu.memory_space<semaphore_mem>>)
        %dma_wait3A_57 = arith.constant 9984 : i32
        %dma_wait3A_58 = arith.constant 0 : i32
        %dma_wait3A_59 = tpu.memref_slice %arg13[%dma_wait3A_57, %dma_wait3A_58] : memref<10000x128xf32, #tpu.memory_space<vmem_shared>> -> memref<16x128xf32, #tpu.memory_space<vmem_shared>>
        %dma_wait3A_60 = arith.constant 0 : i32
        %dma_wait3A_61 = arith.constant 0 : i32
        %dma_wait3A_62 = tpu.memref_slice %arg5[%dma_wait3A_60, %dma_wait3A_61] : memref<624x128xf32, #tpu.memory_space<hbm>> -> memref<16x128xf32, #tpu.memory_space<hbm>>
        tpu.wait_dma2 semaphore(%run_scoped3A : memref<!tpu.dma_semaphore, #tpu.memory_space<semaphore_mem>>) src(%dma_wait3A_62 : memref<16x128xf32, #tpu.memory_space<hbm>>) dst(%dma_wait3A_59 : memref<16x128xf32, #tpu.memory_space<vmem_shared>>)
        tpu.yield
      }) : () -> ()
    } else {
    }
    %barrier3A = arith.constant 0 : index
    tpu.barrier barrier_id(%barrier3A)
    %scan3A = arith.constant 0 : i32
    %scan3A_17 = arith.constant 0 : i32
    %scan3A_18 = arith.constant 39 : i32
    %scan3A_19 = arith.addi %scan3A_17, %scan3A_18 : i32
    %scan3A_20 = arith.constant 1 : i32
    scf.for %scan3A_51 = %scan3A_17 to %scan3A_19 step %scan3A_20  : i32 {
      %mul3A_52 = arith.constant 2 : i32
      %mul3A_53 = arith.muli %mul3A_52, %scan3A_51 : i32
      %mul3A_54 = arith.constant 128 : i32
      %mul3A_55 = arith.muli %mul3A_53, %mul3A_54 : i32
      %dma_wait3A_56 = tpu.memref_slice %arg7[%mul3A_55] : memref<10000xi32, #tpu.memory_space<vmem>> -> memref<128xi32, #tpu.memory_space<vmem>>
      %dma_wait3A_57 = arith.constant 0 : i32
      %dma_wait3A_58 = arith.constant 0 : i32
      %dma_wait3A_59 = tpu.memref_slice %arg2[%dma_wait3A_57, %dma_wait3A_58] : memref<90000x128xf32, #tpu.memory_space<hbm>> -> memref<90000x128xf32, #tpu.memory_space<hbm>>
      tpu.wait_indirect_dma semaphore(%arg14 : memref<!tpu.dma_semaphore, #tpu.memory_space<semaphore_mem>>) src(%dma_wait3A_59 : memref<90000x128xf32, #tpu.memory_space<hbm>>) dst(%arg11 : memref<128x128xf32, #tpu.memory_space<vmem>>)
      %add3A_60 = arith.constant 320000 : i32
      %add3A_61 = arith.addi %add3A_60, %mul3A_2 : i32
      %mul3A_62 = arith.constant 128 : i32
      %mul3A_63 = arith.muli %mul3A_53, %mul3A_62 : i32
      %add3A_64 = arith.addi %add3A_61, %mul3A_63 : i32
      %dma_wait3A_65 = tpu.memref_slice %arg4[%add3A_64] : memref<640000xi32, #tpu.memory_space<hbm>> -> memref<128xi32, #tpu.memory_space<hbm>>
      %dma_wait3A_66 = tpu.memref_slice %arg4[%add3A_64] : memref<640000xi32, #tpu.memory_space<hbm>> -> memref<128xi32, #tpu.memory_space<hbm>>
      tpu.wait_dma2 semaphore(%arg16 : memref<!tpu.dma_semaphore, #tpu.memory_space<semaphore_mem>>) src(%dma_wait3A_66 : memref<128xi32, #tpu.memory_space<hbm>>) dst(%arg8 : memref<128xi32, #tpu.memory_space<vmem>>)
      %add3A_67 = arith.constant 1 : i32
      %add3A_68 = arith.addi %mul3A_53, %add3A_67 : i32
      %mul3A_69 = arith.constant 128 : i32
      %mul3A_70 = arith.muli %add3A_68, %mul3A_69 : i32
      %dma_start3A_71 = tpu.memref_slice %arg7[%mul3A_70] : memref<10000xi32, #tpu.memory_space<vmem>> -> memref<128xi32, #tpu.memory_space<vmem>>
      %dma_start3A_72 = arith.constant 0 : i32
      %dma_start3A_73 = arith.constant 0 : i32
      %dma_start3A_74 = tpu.memref_slice %arg2[%dma_start3A_72, %dma_start3A_73] : memref<90000x128xf32, #tpu.memory_space<hbm>> -> memref<90000x128xf32, #tpu.memory_space<hbm>>
      tpu.enqueue_indirect_dma source(%dma_start3A_74 : memref<90000x128xf32, #tpu.memory_space<hbm>>) target(%arg12 : memref<128x128xf32, #tpu.memory_space<vmem>>) offsets(%dma_start3A_71 : memref<128xi32, #tpu.memory_space<vmem>>) semaphore(%arg15 : memref<!tpu.dma_semaphore, #tpu.memory_space<semaphore_mem>>)
      %add3A_75 = arith.constant 1 : i32
      %add3A_76 = arith.addi %mul3A_53, %add3A_75 : i32
      %add3A_77 = arith.constant 320000 : i32
      %add3A_78 = arith.addi %add3A_77, %mul3A_2 : i32
      %mul3A_79 = arith.constant 128 : i32
      %mul3A_80 = arith.muli %add3A_76, %mul3A_79 : i32
      %add3A_81 = arith.addi %add3A_78, %mul3A_80 : i32
      %dma_start3A_82 = tpu.memref_slice %arg4[%add3A_81] : memref<640000xi32, #tpu.memory_space<hbm>> -> memref<128xi32, #tpu.memory_space<hbm>>
      %dma_start3A_83 = tpu.memref_slice %arg4[%add3A_81] : memref<640000xi32, #tpu.memory_space<hbm>> -> memref<128xi32, #tpu.memory_space<hbm>>
      tpu.enqueue_dma source(%dma_start3A_83 : memref<128xi32, #tpu.memory_space<hbm>>) target(%arg9 : memref<128xi32, #tpu.memory_space<vmem>>) target_semaphore(%arg17 : memref<!tpu.dma_semaphore, #tpu.memory_space<semaphore_mem>>)
      "tpu.region"() ({
        %run_scoped3A = tpu.sem_alloc : memref<!tpu.dma_semaphore, #tpu.memory_space<semaphore_mem>>
        %dma_start3A_107 = arith.constant 0 : i32
        %dma_start3A_108 = arith.constant 0 : i32
        %dma_start3A_109 = tpu.memref_slice %arg13[%dma_start3A_107, %dma_start3A_108] : memref<10000x128xf32, #tpu.memory_space<vmem_shared>> -> memref<10000x128xf32, #tpu.memory_space<vmem_shared>>
        tpu.enqueue_indirect_dma source(%arg11 : memref<128x128xf32, #tpu.memory_space<vmem>>) target(%dma_start3A_109 : memref<10000x128xf32, #tpu.memory_space<vmem_shared>>) offsets(%arg8 : memref<128xi32, #tpu.memory_space<vmem>>) semaphore(%run_scoped3A : memref<!tpu.dma_semaphore, #tpu.memory_space<semaphore_mem>>) {add = true}
        %dma_wait3A_110 = arith.constant 0 : i32
        %dma_wait3A_111 = arith.constant 0 : i32
        %dma_wait3A_112 = tpu.memref_slice %arg13[%dma_wait3A_110, %dma_wait3A_111] : memref<10000x128xf32, #tpu.memory_space<vmem_shared>> -> memref<10000x128xf32, #tpu.memory_space<vmem_shared>>
        tpu.wait_indirect_dma semaphore(%run_scoped3A : memref<!tpu.dma_semaphore, #tpu.memory_space<semaphore_mem>>) src(%arg11 : memref<128x128xf32, #tpu.memory_space<vmem>>) dst(%dma_wait3A_112 : memref<10000x128xf32, #tpu.memory_space<vmem_shared>>)
        tpu.yield
      }) : () -> ()
      %add3A_84 = arith.constant 2 : i32
      %add3A_85 = arith.addi %mul3A_53, %add3A_84 : i32
      %lt3A = arith.constant 78 : i32
      %lt3A_86 = arith.cmpi slt, %add3A_85, %lt3A : i32
      %convert_element_type3A_87 = arith.extui %lt3A_86 : i1 to i32
      %cond3A_88 = arith.constant 0 : i32
      %cond3A_89 = arith.cmpi ne, %convert_element_type3A_87, %cond3A_88 : i32
      scf.if %cond3A_89 {
        %add3A_107 = arith.constant 2 : i32
        %add3A_108 = arith.addi %mul3A_53, %add3A_107 : i32
        %mul3A_109 = arith.constant 128 : i32
        %mul3A_110 = arith.muli %add3A_108, %mul3A_109 : i32
        %dma_start3A_111 = tpu.memref_slice %arg7[%mul3A_110] : memref<10000xi32, #tpu.memory_space<vmem>> -> memref<128xi32, #tpu.memory_space<vmem>>
        %dma_start3A_112 = arith.constant 0 : i32
        %dma_start3A_113 = arith.constant 0 : i32
        %dma_start3A_114 = tpu.memref_slice %arg2[%dma_start3A_112, %dma_start3A_113] : memref<90000x128xf32, #tpu.memory_space<hbm>> -> memref<90000x128xf32, #tpu.memory_space<hbm>>
        tpu.enqueue_indirect_dma source(%dma_start3A_114 : memref<90000x128xf32, #tpu.memory_space<hbm>>) target(%arg11 : memref<128x128xf32, #tpu.memory_space<vmem>>) offsets(%dma_start3A_111 : memref<128xi32, #tpu.memory_space<vmem>>) semaphore(%arg14 : memref<!tpu.dma_semaphore, #tpu.memory_space<semaphore_mem>>)
        %add3A_115 = arith.constant 2 : i32
        %add3A_116 = arith.addi %mul3A_53, %add3A_115 : i32
        %add3A_117 = arith.constant 320000 : i32
        %add3A_118 = arith.addi %add3A_117, %mul3A_2 : i32
        %mul3A_119 = arith.constant 128 : i32
        %mul3A_120 = arith.muli %add3A_116, %mul3A_119 : i32
        %add3A_121 = arith.addi %add3A_118, %mul3A_120 : i32
        %dma_start3A_122 = tpu.memref_slice %arg4[%add3A_121] : memref<640000xi32, #tpu.memory_space<hbm>> -> memref<128xi32, #tpu.memory_space<hbm>>
        %dma_start3A_123 = tpu.memref_slice %arg4[%add3A_121] : memref<640000xi32, #tpu.memory_space<hbm>> -> memref<128xi32, #tpu.memory_space<hbm>>
        tpu.enqueue_dma source(%dma_start3A_123 : memref<128xi32, #tpu.memory_space<hbm>>) target(%arg8 : memref<128xi32, #tpu.memory_space<vmem>>) target_semaphore(%arg16 : memref<!tpu.dma_semaphore, #tpu.memory_space<semaphore_mem>>)
      } else {
      }
      %add3A_90 = arith.constant 1 : i32
      %add3A_91 = arith.addi %mul3A_53, %add3A_90 : i32
      %mul3A_92 = arith.constant 128 : i32
      %mul3A_93 = arith.muli %add3A_91, %mul3A_92 : i32
      %dma_wait3A_94 = tpu.memref_slice %arg7[%mul3A_93] : memref<10000xi32, #tpu.memory_space<vmem>> -> memref<128xi32, #tpu.memory_space<vmem>>
      %dma_wait3A_95 = arith.constant 0 : i32
      %dma_wait3A_96 = arith.constant 0 : i32
      %dma_wait3A_97 = tpu.memref_slice %arg2[%dma_wait3A_95, %dma_wait3A_96] : memref<90000x128xf32, #tpu.memory_space<hbm>> -> memref<90000x128xf32, #tpu.memory_space<hbm>>
      tpu.wait_indirect_dma semaphore(%arg15 : memref<!tpu.dma_semaphore, #tpu.memory_space<semaphore_mem>>) src(%dma_wait3A_97 : memref<90000x128xf32, #tpu.memory_space<hbm>>) dst(%arg12 : memref<128x128xf32, #tpu.memory_space<vmem>>)
      %add3A_98 = arith.constant 1 : i32
      %add3A_99 = arith.addi %mul3A_53, %add3A_98 : i32
      %add3A_100 = arith.constant 320000 : i32
      %add3A_101 = arith.addi %add3A_100, %mul3A_2 : i32
      %mul3A_102 = arith.constant 128 : i32
      %mul3A_103 = arith.muli %add3A_99, %mul3A_102 : i32
      %add3A_104 = arith.addi %add3A_101, %mul3A_103 : i32
      %dma_wait3A_105 = tpu.memref_slice %arg4[%add3A_104] : memref<640000xi32, #tpu.memory_space<hbm>> -> memref<128xi32, #tpu.memory_space<hbm>>
      %dma_wait3A_106 = tpu.memref_slice %arg4[%add3A_104] : memref<640000xi32, #tpu.memory_space<hbm>> -> memref<128xi32, #tpu.memory_space<hbm>>
      tpu.wait_dma2 semaphore(%arg17 : memref<!tpu.dma_semaphore, #tpu.memory_space<semaphore_mem>>) src(%dma_wait3A_106 : memref<128xi32, #tpu.memory_space<hbm>>) dst(%arg9 : memref<128xi32, #tpu.memory_space<vmem>>)
      "tpu.region"() ({
        %run_scoped3A = tpu.sem_alloc : memref<!tpu.dma_semaphore, #tpu.memory_space<semaphore_mem>>
        %dma_start3A_107 = arith.constant 0 : i32
        %dma_start3A_108 = arith.constant 0 : i32
        %dma_start3A_109 = tpu.memref_slice %arg13[%dma_start3A_107, %dma_start3A_108] : memref<10000x128xf32, #tpu.memory_space<vmem_shared>> -> memref<10000x128xf32, #tpu.memory_space<vmem_shared>>
        tpu.enqueue_indirect_dma source(%arg12 : memref<128x128xf32, #tpu.memory_space<vmem>>) target(%dma_start3A_109 : memref<10000x128xf32, #tpu.memory_space<vmem_shared>>) offsets(%arg9 : memref<128xi32, #tpu.memory_space<vmem>>) semaphore(%run_scoped3A : memref<!tpu.dma_semaphore, #tpu.memory_space<semaphore_mem>>) {add = true}
        %dma_wait3A_110 = arith.constant 0 : i32
        %dma_wait3A_111 = arith.constant 0 : i32
        %dma_wait3A_112 = tpu.memref_slice %arg13[%dma_wait3A_110, %dma_wait3A_111] : memref<10000x128xf32, #tpu.memory_space<vmem_shared>> -> memref<10000x128xf32, #tpu.memory_space<vmem_shared>>
        tpu.wait_indirect_dma semaphore(%run_scoped3A : memref<!tpu.dma_semaphore, #tpu.memory_space<semaphore_mem>>) src(%arg12 : memref<128x128xf32, #tpu.memory_space<vmem>>) dst(%dma_wait3A_112 : memref<10000x128xf32, #tpu.memory_space<vmem_shared>>)
        tpu.yield
      }) : () -> ()
    }
    %scan3A_21 = arith.constant 39 : i32
    %add3A_22 = arith.constant 320000 : i32
    %add3A_23 = arith.addi %add3A_22, %mul3A_2 : i32
    %add3A_24 = arith.constant 9984 : i32
    %add3A_25 = arith.addi %add3A_23, %add3A_24 : i32
    "tpu.region"() ({
      %run_scoped3A = tpu.sem_alloc : memref<!tpu.dma_semaphore, #tpu.memory_space<semaphore_mem>>
      %dma_start3A_51 = tpu.memref_slice %arg4[%add3A_25] : memref<640000xi32, #tpu.memory_space<hbm>> -> memref<16xi32, #tpu.memory_space<hbm>>
      %dma_start3A_52 = tpu.memref_slice %arg4[%add3A_25] : memref<640000xi32, #tpu.memory_space<hbm>> -> memref<16xi32, #tpu.memory_space<hbm>>
      tpu.enqueue_dma source(%dma_start3A_52 : memref<16xi32, #tpu.memory_space<hbm>>) target(%arg10 : memref<16xi32, #tpu.memory_space<vmem>>) target_semaphore(%run_scoped3A : memref<!tpu.dma_semaphore, #tpu.memory_space<semaphore_mem>>)
      %dma_wait3A_53 = tpu.memref_slice %arg4[%add3A_25] : memref<640000xi32, #tpu.memory_space<hbm>> -> memref<16xi32, #tpu.memory_space<hbm>>
      %dma_wait3A_54 = tpu.memref_slice %arg4[%add3A_25] : memref<640000xi32, #tpu.memory_space<hbm>> -> memref<16xi32, #tpu.memory_space<hbm>>
      tpu.wait_dma2 semaphore(%run_scoped3A : memref<!tpu.dma_semaphore, #tpu.memory_space<semaphore_mem>>) src(%dma_wait3A_54 : memref<16xi32, #tpu.memory_space<hbm>>) dst(%arg10 : memref<16xi32, #tpu.memory_space<vmem>>)
      tpu.yield
    }) : () -> ()
    %dma_start3A_26 = arith.constant 0 : i32
    %dma_start3A_27 = arith.constant 0 : i32
    %dma_start3A_28 = tpu.memref_slice %arg11[%dma_start3A_26, %dma_start3A_27] : memref<128x128xf32, #tpu.memory_space<vmem>> -> memref<16x128xf32, #tpu.memory_space<vmem>>
    %dma_start3A_29 = arith.constant 9984 : i32
    %dma_start3A_30 = tpu.memref_slice %arg7[%dma_start3A_29] : memref<10000xi32, #tpu.memory_space<vmem>> -> memref<16xi32, #tpu.memory_space<vmem>>
    %dma_start3A_31 = arith.constant 0 : i32
    %dma_start3A_32 = arith.constant 0 : i32
    %dma_start3A_33 = tpu.memref_slice %arg2[%dma_start3A_31, %dma_start3A_32] : memref<90000x128xf32, #tpu.memory_space<hbm>> -> memref<90000x128xf32, #tpu.memory_space<hbm>>
    tpu.enqueue_indirect_dma source(%dma_start3A_33 : memref<90000x128xf32, #tpu.memory_space<hbm>>) target(%dma_start3A_28 : memref<16x128xf32, #tpu.memory_space<vmem>>) offsets(%dma_start3A_30 : memref<16xi32, #tpu.memory_space<vmem>>) semaphore(%arg14 : memref<!tpu.dma_semaphore, #tpu.memory_space<semaphore_mem>>)
    %dma_wait3A = arith.constant 0 : i32
    %dma_wait3A_34 = arith.constant 0 : i32
    %dma_wait3A_35 = tpu.memref_slice %arg11[%dma_wait3A, %dma_wait3A_34] : memref<128x128xf32, #tpu.memory_space<vmem>> -> memref<16x128xf32, #tpu.memory_space<vmem>>
    %dma_wait3A_36 = arith.constant 9984 : i32
    %dma_wait3A_37 = tpu.memref_slice %arg7[%dma_wait3A_36] : memref<10000xi32, #tpu.memory_space<vmem>> -> memref<16xi32, #tpu.memory_space<vmem>>
    %dma_wait3A_38 = arith.constant 0 : i32
    %dma_wait3A_39 = arith.constant 0 : i32
    %dma_wait3A_40 = tpu.memref_slice %arg2[%dma_wait3A_38, %dma_wait3A_39] : memref<90000x128xf32, #tpu.memory_space<hbm>> -> memref<90000x128xf32, #tpu.memory_space<hbm>>
    tpu.wait_indirect_dma semaphore(%arg14 : memref<!tpu.dma_semaphore, #tpu.memory_space<semaphore_mem>>) src(%dma_wait3A_40 : memref<90000x128xf32, #tpu.memory_space<hbm>>) dst(%dma_wait3A_35 : memref<16x128xf32, #tpu.memory_space<vmem>>)
    "tpu.region"() ({
      %run_scoped3A = tpu.sem_alloc : memref<!tpu.dma_semaphore, #tpu.memory_space<semaphore_mem>>
      %dma_start3A_51 = arith.constant 0 : i32
      %dma_start3A_52 = arith.constant 0 : i32
      %dma_start3A_53 = tpu.memref_slice %arg11[%dma_start3A_51, %dma_start3A_52] : memref<128x128xf32, #tpu.memory_space<vmem>> -> memref<16x128xf32, #tpu.memory_space<vmem>>
      %dma_start3A_54 = arith.constant 0 : i32
      %dma_start3A_55 = arith.constant 0 : i32
      %dma_start3A_56 = tpu.memref_slice %arg13[%dma_start3A_54, %dma_start3A_55] : memref<10000x128xf32, #tpu.memory_space<vmem_shared>> -> memref<10000x128xf32, #tpu.memory_space<vmem_shared>>
      tpu.enqueue_indirect_dma source(%dma_start3A_53 : memref<16x128xf32, #tpu.memory_space<vmem>>) target(%dma_start3A_56 : memref<10000x128xf32, #tpu.memory_space<vmem_shared>>) offsets(%arg10 : memref<16xi32, #tpu.memory_space<vmem>>) semaphore(%run_scoped3A : memref<!tpu.dma_semaphore, #tpu.memory_space<semaphore_mem>>) {add = true}
      %dma_wait3A_57 = arith.constant 0 : i32
      %dma_wait3A_58 = arith.constant 0 : i32
      %dma_wait3A_59 = tpu.memref_slice %arg11[%dma_wait3A_57, %dma_wait3A_58] : memref<128x128xf32, #tpu.memory_space<vmem>> -> memref<16x128xf32, #tpu.memory_space<vmem>>
      %dma_wait3A_60 = arith.constant 0 : i32
      %dma_wait3A_61 = arith.constant 0 : i32
      %dma_wait3A_62 = tpu.memref_slice %arg13[%dma_wait3A_60, %dma_wait3A_61] : memref<10000x128xf32, #tpu.memory_space<vmem_shared>> -> memref<10000x128xf32, #tpu.memory_space<vmem_shared>>
      tpu.wait_indirect_dma semaphore(%run_scoped3A : memref<!tpu.dma_semaphore, #tpu.memory_space<semaphore_mem>>) src(%dma_wait3A_59 : memref<16x128xf32, #tpu.memory_space<vmem>>) dst(%dma_wait3A_62 : memref<10000x128xf32, #tpu.memory_space<vmem_shared>>)
      tpu.yield
    }) : () -> ()
    %barrier3A_41 = arith.constant 0 : index
    tpu.barrier barrier_id(%barrier3A_41)
    %mul3A_42 = arith.constant 624 : i32
    %mul3A_43 = arith.muli %arg1, %mul3A_42 : i32
    %mul3A_44 = arith.constant 624 : i32
    %mul3A_45 = arith.muli %arg1, %mul3A_44 : i32
    "tpu.region"() ({
      %run_scoped3A = tpu.sem_alloc : memref<!tpu.dma_semaphore, #tpu.memory_space<semaphore_mem>>
      %dma_start3A_51 = arith.constant 0 : i32
      %dma_start3A_52 = tpu.memref_slice %arg6[%arg0, %mul3A_45, %dma_start3A_51] : memref<2x10000x128xf32, #tpu.memory_space<hbm>> -> memref<1x624x128xf32, #tpu.memory_space<hbm>>
      %dma_start3A_53 = tpu.memref_squeeze %dma_start3A_52 : memref<1x624x128xf32, #tpu.memory_space<hbm>> -> memref<624x128xf32, #tpu.memory_space<hbm>>
      %dma_start3A_54 = arith.constant 0 : i32
      %dma_start3A_55 = tpu.memref_slice %arg13[%mul3A_43, %dma_start3A_54] : memref<10000x128xf32, #tpu.memory_space<vmem_shared>> -> memref<624x128xf32, #tpu.memory_space<vmem_shared>>
      tpu.enqueue_dma source(%dma_start3A_55 : memref<624x128xf32, #tpu.memory_space<vmem_shared>>) target(%dma_start3A_53 : memref<624x128xf32, #tpu.memory_space<hbm>>) target_semaphore(%run_scoped3A : memref<!tpu.dma_semaphore, #tpu.memory_space<semaphore_mem>>)
      %dma_wait3A_56 = arith.constant 0 : i32
      %dma_wait3A_57 = tpu.memref_slice %arg6[%arg0, %mul3A_45, %dma_wait3A_56] : memref<2x10000x128xf32, #tpu.memory_space<hbm>> -> memref<1x624x128xf32, #tpu.memory_space<hbm>>
      %dma_wait3A_58 = tpu.memref_squeeze %dma_wait3A_57 : memref<1x624x128xf32, #tpu.memory_space<hbm>> -> memref<624x128xf32, #tpu.memory_space<hbm>>
      %dma_wait3A_59 = arith.constant 0 : i32
      %dma_wait3A_60 = tpu.memref_slice %arg13[%mul3A_43, %dma_wait3A_59] : memref<10000x128xf32, #tpu.memory_space<vmem_shared>> -> memref<624x128xf32, #tpu.memory_space<vmem_shared>>
      tpu.wait_dma2 semaphore(%run_scoped3A : memref<!tpu.dma_semaphore, #tpu.memory_space<semaphore_mem>>) src(%dma_wait3A_60 : memref<624x128xf32, #tpu.memory_space<vmem_shared>>) dst(%dma_wait3A_58 : memref<624x128xf32, #tpu.memory_space<hbm>>)
      tpu.yield
    }) : () -> ()
    %eq3A_46 = arith.constant 0 : i32
    %eq3A_47 = arith.cmpi eq, %arg1, %eq3A_46 : i32
    %convert_element_type3A_48 = arith.extui %eq3A_47 : i1 to i32
    %cond3A_49 = arith.constant 0 : i32
    %cond3A_50 = arith.cmpi ne, %convert_element_type3A_48, %cond3A_49 : i32
    scf.if %cond3A_50 {
      "tpu.region"() ({
        %run_scoped3A = tpu.sem_alloc : memref<!tpu.dma_semaphore, #tpu.memory_space<semaphore_mem>>
        %dma_start3A_51 = arith.constant 9984 : i32
        %dma_start3A_52 = arith.constant 0 : i32
        %dma_start3A_53 = tpu.memref_slice %arg6[%arg0, %dma_start3A_51, %dma_start3A_52] : memref<2x10000x128xf32, #tpu.memory_space<hbm>> -> memref<1x16x128xf32, #tpu.memory_space<hbm>>
        %dma_start3A_54 = tpu.memref_squeeze %dma_start3A_53 : memref<1x16x128xf32, #tpu.memory_space<hbm>> -> memref<16x128xf32, #tpu.memory_space<hbm>>
        %dma_start3A_55 = arith.constant 9984 : i32
        %dma_start3A_56 = arith.constant 0 : i32
        %dma_start3A_57 = tpu.memref_slice %arg13[%dma_start3A_55, %dma_start3A_56] : memref<10000x128xf32, #tpu.memory_space<vmem_shared>> -> memref<16x128xf32, #tpu.memory_space<vmem_shared>>
        tpu.enqueue_dma source(%dma_start3A_57 : memref<16x128xf32, #tpu.memory_space<vmem_shared>>) target(%dma_start3A_54 : memref<16x128xf32, #tpu.memory_space<hbm>>) target_semaphore(%run_scoped3A : memref<!tpu.dma_semaphore, #tpu.memory_space<semaphore_mem>>)
        %dma_wait3A_58 = arith.constant 9984 : i32
        %dma_wait3A_59 = arith.constant 0 : i32
        %dma_wait3A_60 = tpu.memref_slice %arg6[%arg0, %dma_wait3A_58, %dma_wait3A_59] : memref<2x10000x128xf32, #tpu.memory_space<hbm>> -> memref<1x16x128xf32, #tpu.memory_space<hbm>>
        %dma_wait3A_61 = tpu.memref_squeeze %dma_wait3A_60 : memref<1x16x128xf32, #tpu.memory_space<hbm>> -> memref<16x128xf32, #tpu.memory_space<hbm>>
        %dma_wait3A_62 = arith.constant 9984 : i32
        %dma_wait3A_63 = arith.constant 0 : i32
        %dma_wait3A_64 = tpu.memref_slice %arg13[%dma_wait3A_62, %dma_wait3A_63] : memref<10000x128xf32, #tpu.memory_space<vmem_shared>> -> memref<16x128xf32, #tpu.memory_space<vmem_shared>>
        tpu.wait_dma2 semaphore(%run_scoped3A : memref<!tpu.dma_semaphore, #tpu.memory_space<semaphore_mem>>) src(%dma_wait3A_64 : memref<16x128xf32, #tpu.memory_space<vmem_shared>>) dst(%dma_wait3A_61 : memref<16x128xf32, #tpu.memory_space<hbm>>)
        tpu.yield
      }) : () -> ()
    } else {
    }
    return
  }
}

module attributes {stable_mosaic.version = 14 : i64} {
  func.func @_mm_body(%arg0: i32, %arg1: memref<2000x128xf32, #tpu.memory_space<vmem>>, %arg2: memref<128x1152xf32, #tpu.memory_space<vmem>>, %arg3: memref<9x2000x128xf32, #tpu.memory_space<vmem>>) attributes {dimension_semantics = [#tpu.dimension_semantics<arbitrary>], iteration_bounds = array<i64: 5>, scalar_prefetch = 0 : i64, scratch_operands = 0 : i64, tpu.core_type = #tpu.core_type<tc>, window_params = [{transform_indices = @transform_0, window_bounds = array<i64: 2000, 128>}, {pipeline_mode = #tpu.pipeline_mode<synchronous>, transform_indices = @transform_1, window_bounds = array<i64: 128, 1152>}, {transform_indices = @transform_2, window_bounds = array<i64: 9, 2000, 128>}]} {
    %get3A = arith.constant 0 : index
    %get3A_0 = arith.constant 0 : index
    %get3A_1 = vector.load %arg1[%get3A, %get3A_0] : memref<2000x128xf32, #tpu.memory_space<vmem>>, vector<2000x128xf32>
    %get3A_2 = arith.constant 0 : index
    %get3A_3 = arith.constant 0 : index
    %get3A_4 = vector.load %arg2[%get3A_2, %get3A_3] : memref<128x1152xf32, #tpu.memory_space<vmem>>, vector<128x1152xf32>
    %dot_general3A = arith.constant dense<0.000000e+00> : vector<2000x1152xf32>
    %dot_general3A_5 = tpu.matmul %get3A_1, %get3A_4, %dot_general3A {dimension_numbers = #tpu.dot_dimension_numbers<[1], [0], [0], [1], [0, 0, 1, 1], [], []>, transpose_lhs_hint = false} : vector<2000x128xf32>, vector<128x1152xf32>, vector<2000x1152xf32> -> vector<2000x1152xf32>
    %slice3A = vector.extract_strided_slice %dot_general3A_5 {offsets = [0, 0], sizes = [2000, 128], strides = [1, 1]} : vector<2000x1152xf32> to vector<2000x128xf32>
    %swap3A = arith.constant 0 : index
    %swap3A_6 = arith.constant 0 : index
    %swap3A_7 = arith.constant 0 : index
    %swap3A_8 = vector.load %arg3[%swap3A, %swap3A_6, %swap3A_7] : memref<9x2000x128xf32, #tpu.memory_space<vmem>>, vector<1x2000x128xf32>
    %swap3A_9 = vector.shape_cast %swap3A_8 : vector<1x2000x128xf32> to vector<2000x128xf32>
    %swap3A_10 = vector.shape_cast %slice3A : vector<2000x128xf32> to vector<1x2000x128xf32>
    tpu.vector_store %arg3[%swap3A, %swap3A_6, %swap3A_7], %swap3A_10 {strides = array<i32>} : memref<9x2000x128xf32, #tpu.memory_space<vmem>>, vector<1x2000x128xf32>,
    %slice3A_11 = vector.extract_strided_slice %dot_general3A_5 {offsets = [0, 128], sizes = [2000, 128], strides = [1, 1]} : vector<2000x1152xf32> to vector<2000x128xf32>
    %swap3A_12 = arith.constant 1 : index
    %swap3A_13 = arith.constant 0 : index
    %swap3A_14 = arith.constant 0 : index
    %swap3A_15 = vector.load %arg3[%swap3A_12, %swap3A_13, %swap3A_14] : memref<9x2000x128xf32, #tpu.memory_space<vmem>>, vector<1x2000x128xf32>
    %swap3A_16 = vector.shape_cast %swap3A_15 : vector<1x2000x128xf32> to vector<2000x128xf32>
    %swap3A_17 = vector.shape_cast %slice3A_11 : vector<2000x128xf32> to vector<1x2000x128xf32>
    tpu.vector_store %arg3[%swap3A_12, %swap3A_13, %swap3A_14], %swap3A_17 {strides = array<i32>} : memref<9x2000x128xf32, #tpu.memory_space<vmem>>, vector<1x2000x128xf32>,
    %slice3A_18 = vector.extract_strided_slice %dot_general3A_5 {offsets = [0, 256], sizes = [2000, 128], strides = [1, 1]} : vector<2000x1152xf32> to vector<2000x128xf32>
    %swap3A_19 = arith.constant 2 : index
    %swap3A_20 = arith.constant 0 : index
    %swap3A_21 = arith.constant 0 : index
    %swap3A_22 = vector.load %arg3[%swap3A_19, %swap3A_20, %swap3A_21] : memref<9x2000x128xf32, #tpu.memory_space<vmem>>, vector<1x2000x128xf32>
    %swap3A_23 = vector.shape_cast %swap3A_22 : vector<1x2000x128xf32> to vector<2000x128xf32>
    %swap3A_24 = vector.shape_cast %slice3A_18 : vector<2000x128xf32> to vector<1x2000x128xf32>
    tpu.vector_store %arg3[%swap3A_19, %swap3A_20, %swap3A_21], %swap3A_24 {strides = array<i32>} : memref<9x2000x128xf32, #tpu.memory_space<vmem>>, vector<1x2000x128xf32>,
    %slice3A_25 = vector.extract_strided_slice %dot_general3A_5 {offsets = [0, 384], sizes = [2000, 128], strides = [1, 1]} : vector<2000x1152xf32> to vector<2000x128xf32>
    %swap3A_26 = arith.constant 3 : index
    %swap3A_27 = arith.constant 0 : index
    %swap3A_28 = arith.constant 0 : index
    %swap3A_29 = vector.load %arg3[%swap3A_26, %swap3A_27, %swap3A_28] : memref<9x2000x128xf32, #tpu.memory_space<vmem>>, vector<1x2000x128xf32>
    %swap3A_30 = vector.shape_cast %swap3A_29 : vector<1x2000x128xf32> to vector<2000x128xf32>
    %swap3A_31 = vector.shape_cast %slice3A_25 : vector<2000x128xf32> to vector<1x2000x128xf32>
    tpu.vector_store %arg3[%swap3A_26, %swap3A_27, %swap3A_28], %swap3A_31 {strides = array<i32>} : memref<9x2000x128xf32, #tpu.memory_space<vmem>>, vector<1x2000x128xf32>,
    %slice3A_32 = vector.extract_strided_slice %dot_general3A_5 {offsets = [0, 512], sizes = [2000, 128], strides = [1, 1]} : vector<2000x1152xf32> to vector<2000x128xf32>
    %swap3A_33 = arith.constant 4 : index
    %swap3A_34 = arith.constant 0 : index
    %swap3A_35 = arith.constant 0 : index
    %swap3A_36 = vector.load %arg3[%swap3A_33, %swap3A_34, %swap3A_35] : memref<9x2000x128xf32, #tpu.memory_space<vmem>>, vector<1x2000x128xf32>
    %swap3A_37 = vector.shape_cast %swap3A_36 : vector<1x2000x128xf32> to vector<2000x128xf32>
    %swap3A_38 = vector.shape_cast %slice3A_32 : vector<2000x128xf32> to vector<1x2000x128xf32>
    tpu.vector_store %arg3[%swap3A_33, %swap3A_34, %swap3A_35], %swap3A_38 {strides = array<i32>} : memref<9x2000x128xf32, #tpu.memory_space<vmem>>, vector<1x2000x128xf32>,
    %slice3A_39 = vector.extract_strided_slice %dot_general3A_5 {offsets = [0, 640], sizes = [2000, 128], strides = [1, 1]} : vector<2000x1152xf32> to vector<2000x128xf32>
    %swap3A_40 = arith.constant 5 : index
    %swap3A_41 = arith.constant 0 : index
    %swap3A_42 = arith.constant 0 : index
    %swap3A_43 = vector.load %arg3[%swap3A_40, %swap3A_41, %swap3A_42] : memref<9x2000x128xf32, #tpu.memory_space<vmem>>, vector<1x2000x128xf32>
    %swap3A_44 = vector.shape_cast %swap3A_43 : vector<1x2000x128xf32> to vector<2000x128xf32>
    %swap3A_45 = vector.shape_cast %slice3A_39 : vector<2000x128xf32> to vector<1x2000x128xf32>
    tpu.vector_store %arg3[%swap3A_40, %swap3A_41, %swap3A_42], %swap3A_45 {strides = array<i32>} : memref<9x2000x128xf32, #tpu.memory_space<vmem>>, vector<1x2000x128xf32>,
    %slice3A_46 = vector.extract_strided_slice %dot_general3A_5 {offsets = [0, 768], sizes = [2000, 128], strides = [1, 1]} : vector<2000x1152xf32> to vector<2000x128xf32>
    %swap3A_47 = arith.constant 6 : index
    %swap3A_48 = arith.constant 0 : index
    %swap3A_49 = arith.constant 0 : index
    %swap3A_50 = vector.load %arg3[%swap3A_47, %swap3A_48, %swap3A_49] : memref<9x2000x128xf32, #tpu.memory_space<vmem>>, vector<1x2000x128xf32>
    %swap3A_51 = vector.shape_cast %swap3A_50 : vector<1x2000x128xf32> to vector<2000x128xf32>
    %swap3A_52 = vector.shape_cast %slice3A_46 : vector<2000x128xf32> to vector<1x2000x128xf32>
    tpu.vector_store %arg3[%swap3A_47, %swap3A_48, %swap3A_49], %swap3A_52 {strides = array<i32>} : memref<9x2000x128xf32, #tpu.memory_space<vmem>>, vector<1x2000x128xf32>,
    %slice3A_53 = vector.extract_strided_slice %dot_general3A_5 {offsets = [0, 896], sizes = [2000, 128], strides = [1, 1]} : vector<2000x1152xf32> to vector<2000x128xf32>
    %swap3A_54 = arith.constant 7 : index
    %swap3A_55 = arith.constant 0 : index
    %swap3A_56 = arith.constant 0 : index
    %swap3A_57 = vector.load %arg3[%swap3A_54, %swap3A_55, %swap3A_56] : memref<9x2000x128xf32, #tpu.memory_space<vmem>>, vector<1x2000x128xf32>
    %swap3A_58 = vector.shape_cast %swap3A_57 : vector<1x2000x128xf32> to vector<2000x128xf32>
    %swap3A_59 = vector.shape_cast %slice3A_53 : vector<2000x128xf32> to vector<1x2000x128xf32>
    tpu.vector_store %arg3[%swap3A_54, %swap3A_55, %swap3A_56], %swap3A_59 {strides = array<i32>} : memref<9x2000x128xf32, #tpu.memory_space<vmem>>, vector<1x2000x128xf32>,
    %slice3A_60 = vector.extract_strided_slice %dot_general3A_5 {offsets = [0, 1024], sizes = [2000, 128], strides = [1, 1]} : vector<2000x1152xf32> to vector<2000x128xf32>
    %swap3A_61 = arith.constant 8 : index
    %swap3A_62 = arith.constant 0 : index
    %swap3A_63 = arith.constant 0 : index
    %swap3A_64 = vector.load %arg3[%swap3A_61, %swap3A_62, %swap3A_63] : memref<9x2000x128xf32, #tpu.memory_space<vmem>>, vector<1x2000x128xf32>
    %swap3A_65 = vector.shape_cast %swap3A_64 : vector<1x2000x128xf32> to vector<2000x128xf32>
    %swap3A_66 = vector.shape_cast %slice3A_60 : vector<2000x128xf32> to vector<1x2000x128xf32>
    tpu.vector_store %arg3[%swap3A_61, %swap3A_62, %swap3A_63], %swap3A_66 {strides = array<i32>} : memref<9x2000x128xf32, #tpu.memory_space<vmem>>, vector<1x2000x128xf32>,
    return
  }
  func.func @transform_0(%arg0: i32) -> (i32, i32) {
    %c0_i32 = arith.constant 0 : i32
    %c0_i32_0 = arith.constant 0 : i32
    return %arg0, %c0_i32 : i32, i32
  }
  func.func @transform_1(%arg0: i32) -> (i32, i32) {
    %c0_i32 = arith.constant 0 : i32
    %c0_i32_0 = arith.constant 0 : i32
    %c0_i32_1 = arith.constant 0 : i32
    return %c0_i32, %c0_i32_0 : i32, i32
  }
  func.func @transform_2(%arg0: i32) -> (i32, i32, i32) {
    %c0_i32 = arith.constant 0 : i32
    %c0_i32_0 = arith.constant 0 : i32
    %c0_i32_1 = arith.constant 0 : i32
    return %c0_i32, %arg0, %c0_i32_0 : i32, i32, i32
  }
}

module attributes {stable_mosaic.version = 14 : i64} {
  func.func @_bn_mm_body(%arg0: i32, %arg1: i32, %arg2: memref<2x2000x128xf32, #tpu.memory_space<vmem>>, %arg3: memref<1x128xf32, #tpu.memory_space<vmem>>, %arg4: memref<1x128xf32, #tpu.memory_space<vmem>>, %arg5: memref<1x128xf32, #tpu.memory_space<vmem>>, %arg6: memref<128x1152xf32, #tpu.memory_space<vmem>>, %arg7: memref<9x2000x128xf32, #tpu.memory_space<vmem>>, %arg8: memref<2x128xf32, #tpu.memory_space<vmem>>, %arg9: memref<10000x128xf32, #tpu.memory_space<vmem>>) attributes {dimension_semantics = [#tpu.dimension_semantics<arbitrary>, #tpu.dimension_semantics<arbitrary>], iteration_bounds = array<i64: 2, 5>, scalar_prefetch = 0 : i64, scratch_operands = 2 : i64, tpu.core_type = #tpu.core_type<tc>, window_params = [{transform_indices = @transform_0, window_bounds = array<i64: 2, 2000, 128>}, {pipeline_mode = #tpu.pipeline_mode<synchronous>, transform_indices = @transform_1, window_bounds = array<i64: 1, 128>}, {pipeline_mode = #tpu.pipeline_mode<synchronous>, transform_indices = @transform_2, window_bounds = array<i64: 1, 128>}, {pipeline_mode = #tpu.pipeline_mode<synchronous>, transform_indices = @transform_3, window_bounds = array<i64: 1, 128>}, {pipeline_mode = #tpu.pipeline_mode<synchronous>, transform_indices = @transform_4, window_bounds = array<i64: 128, 1152>}, {transform_indices = @transform_5, window_bounds = array<i64: 9, 2000, 128>}]} {
    %mul3A = arith.constant 2000 : i32
    %mul3A_0 = arith.muli %arg1, %mul3A : i32
    %eq3A = arith.constant 0 : i32
    %eq3A_1 = arith.cmpi eq, %arg0, %eq3A : i32
    %convert_element_type3A = arith.extui %eq3A_1 : i1 to i32
    %cond3A = arith.constant 0 : i32
    %cond3A_2 = arith.cmpi ne, %convert_element_type3A, %cond3A : i32
    scf.if %cond3A_2 {
      %get3A = arith.constant 0 : index
      %get3A_8 = arith.constant 0 : index
      %get3A_9 = arith.constant 0 : index
      %get3A_10 = vector.load %arg2[%get3A, %get3A_8, %get3A_9] : memref<2x2000x128xf32, #tpu.memory_space<vmem>>, vector<1x2000x128xf32>
      %get3A_11 = vector.shape_cast %get3A_10 : vector<1x2000x128xf32> to vector<2000x128xf32>
      %get3A_12 = arith.constant 1 : index
      %get3A_13 = arith.constant 0 : index
      %get3A_14 = arith.constant 0 : index
      %get3A_15 = vector.load %arg2[%get3A_12, %get3A_13, %get3A_14] : memref<2x2000x128xf32, #tpu.memory_space<vmem>>, vector<1x2000x128xf32>
      %get3A_16 = vector.shape_cast %get3A_15 : vector<1x2000x128xf32> to vector<2000x128xf32>
      %add3A = arith.addf %get3A_11, %get3A_16 : vector<2000x128xf32>
      %get3A_17 = arith.constant 0 : index
      %get3A_18 = arith.constant 0 : index
      %get3A_19 = vector.load %arg3[%get3A_17, %get3A_18] : memref<1x128xf32, #tpu.memory_space<vmem>>, vector<1x128xf32>
      %add3A_20 = vector.broadcast %get3A_19 : vector<1x128xf32> to vector<2000x128xf32>
      %add3A_21 = arith.addf %add3A, %add3A_20 : vector<2000x128xf32>
      %swap3A = arith.index_cast %mul3A_0 : i32 to index
      %swap3A_22 = arith.constant 0 : index
      %swap3A_23 = vector.load %arg9[%swap3A, %swap3A_22] : memref<10000x128xf32, #tpu.memory_space<vmem>>, vector<2000x128xf32>
      tpu.vector_store %arg9[%swap3A, %swap3A_22], %add3A_21 {strides = array<i32>} : memref<10000x128xf32, #tpu.memory_space<vmem>>, vector<2000x128xf32>,
      %eq3A_24 = arith.constant 0 : i32
      %eq3A_25 = arith.cmpi eq, %arg1, %eq3A_24 : i32
      %convert_element_type3A_26 = arith.extui %eq3A_25 : i1 to i32
      %cond3A_27 = arith.constant 0 : i32
      %cond3A_28 = arith.cmpi ne, %convert_element_type3A_26, %cond3A_27 : i32
      scf.if %cond3A_28 {
        %broadcast_in_dim3A_48 = arith.constant 0.000000e+00 : f32
        %broadcast_in_dim3A_49 = vector.broadcast %broadcast_in_dim3A_48 : f32 to vector<2x128xf32>
        %swap3A_50 = arith.constant 0 : index
        %swap3A_51 = arith.constant 0 : index
        %swap3A_52 = vector.load %arg8[%swap3A_50, %swap3A_51] : memref<2x128xf32, #tpu.memory_space<vmem>>, vector<2x128xf32>
        tpu.vector_store %arg8[%swap3A_50, %swap3A_51], %broadcast_in_dim3A_49 {strides = array<i32>} : memref<2x128xf32, #tpu.memory_space<vmem>>, vector<2x128xf32>,
      } else {
      }
      %get3A_29 = arith.constant 0 : index
      %get3A_30 = arith.constant 0 : index
      %get3A_31 = vector.load %arg8[%get3A_29, %get3A_30] : memref<2x128xf32, #tpu.memory_space<vmem>>, vector<1x128xf32>
      %reduce_sum3A = arith.constant dense<0.000000e+00> : vector<128xf32>
      %reduce_sum3A_32 = vector.multi_reduction <add>, %add3A_21, %reduce_sum3A [0] : vector<2000x128xf32> to vector<128xf32>
      %broadcast_in_dim3A = vector.shape_cast %reduce_sum3A_32 : vector<128xf32> to vector<1x128xf32>
      %add3A_33 = arith.addf %get3A_31, %broadcast_in_dim3A : vector<1x128xf32>
      %swap3A_34 = arith.constant 0 : index
      %swap3A_35 = arith.constant 0 : index
      %swap3A_36 = vector.load %arg8[%swap3A_34, %swap3A_35] : memref<2x128xf32, #tpu.memory_space<vmem>>, vector<1x128xf32>
      tpu.vector_store %arg8[%swap3A_34, %swap3A_35], %add3A_33 {strides = array<i32>} : memref<2x128xf32, #tpu.memory_space<vmem>>, vector<1x128xf32>,
      %get3A_37 = arith.constant 1 : index
      %get3A_38 = arith.constant 0 : index
      %get3A_39 = vector.load %arg8[%get3A_37, %get3A_38] : memref<2x128xf32, #tpu.memory_space<vmem>>, vector<1x128xf32>
      %mul3A_40 = arith.mulf %add3A_21, %add3A_21 : vector<2000x128xf32>
      %reduce_sum3A_41 = arith.constant dense<0.000000e+00> : vector<128xf32>
      %reduce_sum3A_42 = vector.multi_reduction <add>, %mul3A_40, %reduce_sum3A_41 [0] : vector<2000x128xf32> to vector<128xf32>
      %broadcast_in_dim3A_43 = vector.shape_cast %reduce_sum3A_42 : vector<128xf32> to vector<1x128xf32>
      %add3A_44 = arith.addf %get3A_39, %broadcast_in_dim3A_43 : vector<1x128xf32>
      %swap3A_45 = arith.constant 1 : index
      %swap3A_46 = arith.constant 0 : index
      %swap3A_47 = vector.load %arg8[%swap3A_45, %swap3A_46] : memref<2x128xf32, #tpu.memory_space<vmem>>, vector<1x128xf32>
      tpu.vector_store %arg8[%swap3A_45, %swap3A_46], %add3A_44 {strides = array<i32>} : memref<2x128xf32, #tpu.memory_space<vmem>>, vector<1x128xf32>,
    } else {
    }
    %eq3A_3 = arith.constant 1 : i32
    %eq3A_4 = arith.cmpi eq, %arg0, %eq3A_3 : i32
    %convert_element_type3A_5 = arith.extui %eq3A_4 : i1 to i32
    %cond3A_6 = arith.constant 0 : i32
    %cond3A_7 = arith.cmpi ne, %convert_element_type3A_5, %cond3A_6 : i32
    scf.if %cond3A_7 {
      %get3A = arith.constant 0 : index
      %get3A_8 = arith.constant 0 : index
      %get3A_9 = vector.load %arg8[%get3A, %get3A_8] : memref<2x128xf32, #tpu.memory_space<vmem>>, vector<1x128xf32>
      %div3A = arith.constant 1.000000e+04 : f32
      %div3A_10 = vector.broadcast %div3A : f32 to vector<1x128xf32>
      %div3A_11 = arith.divf %get3A_9, %div3A_10 : vector<1x128xf32>
      %get3A_12 = arith.constant 1 : index
      %get3A_13 = arith.constant 0 : index
      %get3A_14 = vector.load %arg8[%get3A_12, %get3A_13] : memref<2x128xf32, #tpu.memory_space<vmem>>, vector<1x128xf32>
      %div3A_15 = arith.constant 1.000000e+04 : f32
      %div3A_16 = vector.broadcast %div3A_15 : f32 to vector<1x128xf32>
      %div3A_17 = arith.divf %get3A_14, %div3A_16 : vector<1x128xf32>
      %mul3A_18 = arith.mulf %div3A_11, %div3A_11 : vector<1x128xf32>
      %sub3A = arith.subf %div3A_17, %mul3A_18 : vector<1x128xf32>
      %get3A_19 = arith.constant 0 : index
      %get3A_20 = arith.constant 0 : index
      %get3A_21 = vector.load %arg4[%get3A_19, %get3A_20] : memref<1x128xf32, #tpu.memory_space<vmem>>, vector<1x128xf32>
      %get3A_22 = arith.index_cast %mul3A_0 : i32 to index
      %get3A_23 = arith.constant 0 : index
      %get3A_24 = vector.load %arg9[%get3A_22, %get3A_23] : memref<10000x128xf32, #tpu.memory_space<vmem>>, vector<2000x128xf32>
      %sub3A_25 = vector.broadcast %div3A_11 : vector<1x128xf32> to vector<2000x128xf32>
      %sub3A_26 = arith.subf %get3A_24, %sub3A_25 : vector<2000x128xf32>
      %mul3A_27 = vector.broadcast %get3A_21 : vector<1x128xf32> to vector<2000x128xf32>
      %mul3A_28 = arith.mulf %mul3A_27, %sub3A_26 : vector<2000x128xf32>
      %add3A = arith.constant 9.99999974E-6 : f32
      %add3A_29 = vector.broadcast %add3A : f32 to vector<1x128xf32>
      %add3A_30 = arith.addf %sub3A, %add3A_29 : vector<1x128xf32>
      %rsqrt3A = math.rsqrt %add3A_30 : vector<1x128xf32>
      %mul3A_31 = vector.broadcast %rsqrt3A : vector<1x128xf32> to vector<2000x128xf32>
      %mul3A_32 = arith.mulf %mul3A_28, %mul3A_31 : vector<2000x128xf32>
      %get3A_33 = arith.constant 0 : index
      %get3A_34 = arith.constant 0 : index
      %get3A_35 = vector.load %arg5[%get3A_33, %get3A_34] : memref<1x128xf32, #tpu.memory_space<vmem>>, vector<1x128xf32>
      %add3A_36 = vector.broadcast %get3A_35 : vector<1x128xf32> to vector<2000x128xf32>
      %add3A_37 = arith.addf %mul3A_32, %add3A_36 : vector<2000x128xf32>
      %gt3A = arith.constant 0.000000e+00 : f32
      %gt3A_38 = vector.broadcast %gt3A : f32 to vector<2000x128xf32>
      %gt3A_39 = arith.cmpf ogt, %add3A_37, %gt3A_38 : vector<2000x128xf32>
      %min3A = arith.constant 0.000000e+00 : f32
      %min3A_40 = vector.broadcast %min3A : f32 to vector<2000x128xf32>
      %min3A_41 = arith.minimumf %add3A_37, %min3A_40 : vector<2000x128xf32>
      %exp3A = math.exp %min3A_41 : vector<2000x128xf32>
      %sub3A_42 = arith.constant 1.000000e+00 : f32
      %sub3A_43 = vector.broadcast %sub3A_42 : f32 to vector<2000x128xf32>
      %sub3A_44 = arith.subf %exp3A, %sub3A_43 : vector<2000x128xf32>
      %select_n3A = arith.select %gt3A_39, %add3A_37, %sub3A_44 : vector<2000x128xi1>, vector<2000x128xf32>
      %swap3A = arith.index_cast %mul3A_0 : i32 to index
      %swap3A_45 = arith.constant 0 : index
      %swap3A_46 = vector.load %arg9[%swap3A, %swap3A_45] : memref<10000x128xf32, #tpu.memory_space<vmem>>, vector<2000x128xf32>
      tpu.vector_store %arg9[%swap3A, %swap3A_45], %select_n3A {strides = array<i32>} : memref<10000x128xf32, #tpu.memory_space<vmem>>, vector<2000x128xf32>,
      %get3A_47 = arith.constant 0 : index
      %get3A_48 = arith.constant 0 : index
      %get3A_49 = vector.load %arg6[%get3A_47, %get3A_48] : memref<128x1152xf32, #tpu.memory_space<vmem>>, vector<128x1152xf32>
      %dot_general3A = arith.constant dense<0.000000e+00> : vector<2000x1152xf32>
      %dot_general3A_50 = tpu.matmul %select_n3A, %get3A_49, %dot_general3A {dimension_numbers = #tpu.dot_dimension_numbers<[1], [0], [0], [1], [0, 0, 1, 1], [], []>, transpose_lhs_hint = false} : vector<2000x128xf32>, vector<128x1152xf32>, vector<2000x1152xf32> -> vector<2000x1152xf32>
      %slice3A = vector.extract_strided_slice %dot_general3A_50 {offsets = [0, 0], sizes = [2000, 128], strides = [1, 1]} : vector<2000x1152xf32> to vector<2000x128xf32>
      %swap3A_51 = arith.constant 0 : index
      %swap3A_52 = arith.constant 0 : index
      %swap3A_53 = arith.constant 0 : index
      %swap3A_54 = vector.load %arg7[%swap3A_51, %swap3A_52, %swap3A_53] : memref<9x2000x128xf32, #tpu.memory_space<vmem>>, vector<1x2000x128xf32>
      %swap3A_55 = vector.shape_cast %swap3A_54 : vector<1x2000x128xf32> to vector<2000x128xf32>
      %swap3A_56 = vector.shape_cast %slice3A : vector<2000x128xf32> to vector<1x2000x128xf32>
      tpu.vector_store %arg7[%swap3A_51, %swap3A_52, %swap3A_53], %swap3A_56 {strides = array<i32>} : memref<9x2000x128xf32, #tpu.memory_space<vmem>>, vector<1x2000x128xf32>,
      %slice3A_57 = vector.extract_strided_slice %dot_general3A_50 {offsets = [0, 128], sizes = [2000, 128], strides = [1, 1]} : vector<2000x1152xf32> to vector<2000x128xf32>
      %swap3A_58 = arith.constant 1 : index
      %swap3A_59 = arith.constant 0 : index
      %swap3A_60 = arith.constant 0 : index
      %swap3A_61 = vector.load %arg7[%swap3A_58, %swap3A_59, %swap3A_60] : memref<9x2000x128xf32, #tpu.memory_space<vmem>>, vector<1x2000x128xf32>
      %swap3A_62 = vector.shape_cast %swap3A_61 : vector<1x2000x128xf32> to vector<2000x128xf32>
      %swap3A_63 = vector.shape_cast %slice3A_57 : vector<2000x128xf32> to vector<1x2000x128xf32>
      tpu.vector_store %arg7[%swap3A_58, %swap3A_59, %swap3A_60], %swap3A_63 {strides = array<i32>} : memref<9x2000x128xf32, #tpu.memory_space<vmem>>, vector<1x2000x128xf32>,
      %slice3A_64 = vector.extract_strided_slice %dot_general3A_50 {offsets = [0, 256], sizes = [2000, 128], strides = [1, 1]} : vector<2000x1152xf32> to vector<2000x128xf32>
      %swap3A_65 = arith.constant 2 : index
      %swap3A_66 = arith.constant 0 : index
      %swap3A_67 = arith.constant 0 : index
      %swap3A_68 = vector.load %arg7[%swap3A_65, %swap3A_66, %swap3A_67] : memref<9x2000x128xf32, #tpu.memory_space<vmem>>, vector<1x2000x128xf32>
      %swap3A_69 = vector.shape_cast %swap3A_68 : vector<1x2000x128xf32> to vector<2000x128xf32>
      %swap3A_70 = vector.shape_cast %slice3A_64 : vector<2000x128xf32> to vector<1x2000x128xf32>
      tpu.vector_store %arg7[%swap3A_65, %swap3A_66, %swap3A_67], %swap3A_70 {strides = array<i32>} : memref<9x2000x128xf32, #tpu.memory_space<vmem>>, vector<1x2000x128xf32>,
      %slice3A_71 = vector.extract_strided_slice %dot_general3A_50 {offsets = [0, 384], sizes = [2000, 128], strides = [1, 1]} : vector<2000x1152xf32> to vector<2000x128xf32>
      %swap3A_72 = arith.constant 3 : index
      %swap3A_73 = arith.constant 0 : index
      %swap3A_74 = arith.constant 0 : index
      %swap3A_75 = vector.load %arg7[%swap3A_72, %swap3A_73, %swap3A_74] : memref<9x2000x128xf32, #tpu.memory_space<vmem>>, vector<1x2000x128xf32>
      %swap3A_76 = vector.shape_cast %swap3A_75 : vector<1x2000x128xf32> to vector<2000x128xf32>
      %swap3A_77 = vector.shape_cast %slice3A_71 : vector<2000x128xf32> to vector<1x2000x128xf32>
      tpu.vector_store %arg7[%swap3A_72, %swap3A_73, %swap3A_74], %swap3A_77 {strides = array<i32>} : memref<9x2000x128xf32, #tpu.memory_space<vmem>>, vector<1x2000x128xf32>,
      %slice3A_78 = vector.extract_strided_slice %dot_general3A_50 {offsets = [0, 512], sizes = [2000, 128], strides = [1, 1]} : vector<2000x1152xf32> to vector<2000x128xf32>
      %swap3A_79 = arith.constant 4 : index
      %swap3A_80 = arith.constant 0 : index
      %swap3A_81 = arith.constant 0 : index
      %swap3A_82 = vector.load %arg7[%swap3A_79, %swap3A_80, %swap3A_81] : memref<9x2000x128xf32, #tpu.memory_space<vmem>>, vector<1x2000x128xf32>
      %swap3A_83 = vector.shape_cast %swap3A_82 : vector<1x2000x128xf32> to vector<2000x128xf32>
      %swap3A_84 = vector.shape_cast %slice3A_78 : vector<2000x128xf32> to vector<1x2000x128xf32>
      tpu.vector_store %arg7[%swap3A_79, %swap3A_80, %swap3A_81], %swap3A_84 {strides = array<i32>} : memref<9x2000x128xf32, #tpu.memory_space<vmem>>, vector<1x2000x128xf32>,
      %slice3A_85 = vector.extract_strided_slice %dot_general3A_50 {offsets = [0, 640], sizes = [2000, 128], strides = [1, 1]} : vector<2000x1152xf32> to vector<2000x128xf32>
      %swap3A_86 = arith.constant 5 : index
      %swap3A_87 = arith.constant 0 : index
      %swap3A_88 = arith.constant 0 : index
      %swap3A_89 = vector.load %arg7[%swap3A_86, %swap3A_87, %swap3A_88] : memref<9x2000x128xf32, #tpu.memory_space<vmem>>, vector<1x2000x128xf32>
      %swap3A_90 = vector.shape_cast %swap3A_89 : vector<1x2000x128xf32> to vector<2000x128xf32>
      %swap3A_91 = vector.shape_cast %slice3A_85 : vector<2000x128xf32> to vector<1x2000x128xf32>
      tpu.vector_store %arg7[%swap3A_86, %swap3A_87, %swap3A_88], %swap3A_91 {strides = array<i32>} : memref<9x2000x128xf32, #tpu.memory_space<vmem>>, vector<1x2000x128xf32>,
      %slice3A_92 = vector.extract_strided_slice %dot_general3A_50 {offsets = [0, 768], sizes = [2000, 128], strides = [1, 1]} : vector<2000x1152xf32> to vector<2000x128xf32>
      %swap3A_93 = arith.constant 6 : index
      %swap3A_94 = arith.constant 0 : index
      %swap3A_95 = arith.constant 0 : index
      %swap3A_96 = vector.load %arg7[%swap3A_93, %swap3A_94, %swap3A_95] : memref<9x2000x128xf32, #tpu.memory_space<vmem>>, vector<1x2000x128xf32>
      %swap3A_97 = vector.shape_cast %swap3A_96 : vector<1x2000x128xf32> to vector<2000x128xf32>
      %swap3A_98 = vector.shape_cast %slice3A_92 : vector<2000x128xf32> to vector<1x2000x128xf32>
      tpu.vector_store %arg7[%swap3A_93, %swap3A_94, %swap3A_95], %swap3A_98 {strides = array<i32>} : memref<9x2000x128xf32, #tpu.memory_space<vmem>>, vector<1x2000x128xf32>,
      %slice3A_99 = vector.extract_strided_slice %dot_general3A_50 {offsets = [0, 896], sizes = [2000, 128], strides = [1, 1]} : vector<2000x1152xf32> to vector<2000x128xf32>
      %swap3A_100 = arith.constant 7 : index
      %swap3A_101 = arith.constant 0 : index
      %swap3A_102 = arith.constant 0 : index
      %swap3A_103 = vector.load %arg7[%swap3A_100, %swap3A_101, %swap3A_102] : memref<9x2000x128xf32, #tpu.memory_space<vmem>>, vector<1x2000x128xf32>
      %swap3A_104 = vector.shape_cast %swap3A_103 : vector<1x2000x128xf32> to vector<2000x128xf32>
      %swap3A_105 = vector.shape_cast %slice3A_99 : vector<2000x128xf32> to vector<1x2000x128xf32>
      tpu.vector_store %arg7[%swap3A_100, %swap3A_101, %swap3A_102], %swap3A_105 {strides = array<i32>} : memref<9x2000x128xf32, #tpu.memory_space<vmem>>, vector<1x2000x128xf32>,
      %slice3A_106 = vector.extract_strided_slice %dot_general3A_50 {offsets = [0, 1024], sizes = [2000, 128], strides = [1, 1]} : vector<2000x1152xf32> to vector<2000x128xf32>
      %swap3A_107 = arith.constant 8 : index
      %swap3A_108 = arith.constant 0 : index
      %swap3A_109 = arith.constant 0 : index
      %swap3A_110 = vector.load %arg7[%swap3A_107, %swap3A_108, %swap3A_109] : memref<9x2000x128xf32, #tpu.memory_space<vmem>>, vector<1x2000x128xf32>
      %swap3A_111 = vector.shape_cast %swap3A_110 : vector<1x2000x128xf32> to vector<2000x128xf32>
      %swap3A_112 = vector.shape_cast %slice3A_106 : vector<2000x128xf32> to vector<1x2000x128xf32>
      tpu.vector_store %arg7[%swap3A_107, %swap3A_108, %swap3A_109], %swap3A_112 {strides = array<i32>} : memref<9x2000x128xf32, #tpu.memory_space<vmem>>, vector<1x2000x128xf32>,
    } else {
    }
    return
  }
  func.func @transform_0(%arg0: i32, %arg1: i32) -> (i32, i32, i32) {
    %eq3A = arith.constant 0 : i32
    %eq3A_0 = arith.cmpi eq, %arg0, %eq3A : i32
    %jit3A = arith.constant 0 : i32
    %select_n3A = arith.select %eq3A_0, %arg1, %jit3A : i32
    %c0_i32 = arith.constant 0 : i32
    %c0_i32_1 = arith.constant 0 : i32
    %c0_i32_2 = arith.constant 0 : i32
    return %c0_i32, %select_n3A, %c0_i32_1 : i32, i32, i32
  }
  func.func @transform_1(%arg0: i32, %arg1: i32) -> (i32, i32) {
    %c0_i32 = arith.constant 0 : i32
    %c0_i32_0 = arith.constant 0 : i32
    %c0_i32_1 = arith.constant 0 : i32
    return %c0_i32, %c0_i32_0 : i32, i32
  }
  func.func @transform_2(%arg0: i32, %arg1: i32) -> (i32, i32) {
    %c0_i32 = arith.constant 0 : i32
    %c0_i32_0 = arith.constant 0 : i32
    %c0_i32_1 = arith.constant 0 : i32
    return %c0_i32, %c0_i32_0 : i32, i32
  }
  func.func @transform_3(%arg0: i32, %arg1: i32) -> (i32, i32) {
    %c0_i32 = arith.constant 0 : i32
    %c0_i32_0 = arith.constant 0 : i32
    %c0_i32_1 = arith.constant 0 : i32
    return %c0_i32, %c0_i32_0 : i32, i32
  }
  func.func @transform_4(%arg0: i32, %arg1: i32) -> (i32, i32) {
    %c0_i32 = arith.constant 0 : i32
    %c0_i32_0 = arith.constant 0 : i32
    %c0_i32_1 = arith.constant 0 : i32
    return %c0_i32, %c0_i32_0 : i32, i32
  }
  func.func @transform_5(%arg0: i32, %arg1: i32) -> (i32, i32, i32) {
    %eq3A = arith.constant 1 : i32
    %eq3A_0 = arith.cmpi eq, %arg0, %eq3A : i32
    %jit3A = arith.constant 0 : i32
    %select_n3A = arith.select %eq3A_0, %arg1, %jit3A : i32
    %c0_i32 = arith.constant 0 : i32
    %c0_i32_1 = arith.constant 0 : i32
    %c0_i32_2 = arith.constant 0 : i32
    return %c0_i32, %select_n3A, %c0_i32_1 : i32, i32, i32
  }
}

module attributes {stable_mosaic.version = 14 : i64} {
  func.func @_final_body(%arg0: i32, %arg1: i32, %arg2: memref<2x2000x128xf32, #tpu.memory_space<vmem>>, %arg3: memref<1x128xf32, #tpu.memory_space<vmem>>, %arg4: memref<1x128xf32, #tpu.memory_space<vmem>>, %arg5: memref<1x128xf32, #tpu.memory_space<vmem>>, %arg6: memref<2000x128xf32, #tpu.memory_space<vmem>>, %arg7: memref<128x128xf32, #tpu.memory_space<vmem>>, %arg8: memref<1x128xf32, #tpu.memory_space<vmem>>, %arg9: memref<1x128xf32, #tpu.memory_space<vmem>>, %arg10: memref<1x128xf32, #tpu.memory_space<vmem>>, %arg11: memref<2000x128xf32, #tpu.memory_space<vmem>>, %arg12: memref<2x128xf32, #tpu.memory_space<vmem>>, %arg13: memref<2x128xf32, #tpu.memory_space<vmem>>, %arg14: memref<10000x128xf32, #tpu.memory_space<vmem>>) attributes {dimension_semantics = [#tpu.dimension_semantics<arbitrary>, #tpu.dimension_semantics<arbitrary>], iteration_bounds = array<i64: 3, 5>, scalar_prefetch = 0 : i64, scratch_operands = 3 : i64, tpu.core_type = #tpu.core_type<tc>, window_params = [{transform_indices = @transform_0, window_bounds = array<i64: 2, 2000, 128>}, {pipeline_mode = #tpu.pipeline_mode<synchronous>, transform_indices = @transform_1, window_bounds = array<i64: 1, 128>}, {pipeline_mode = #tpu.pipeline_mode<synchronous>, transform_indices = @transform_2, window_bounds = array<i64: 1, 128>}, {pipeline_mode = #tpu.pipeline_mode<synchronous>, transform_indices = @transform_3, window_bounds = array<i64: 1, 128>}, {transform_indices = @transform_4, window_bounds = array<i64: 2000, 128>}, {pipeline_mode = #tpu.pipeline_mode<synchronous>, transform_indices = @transform_5, window_bounds = array<i64: 128, 128>}, {pipeline_mode = #tpu.pipeline_mode<synchronous>, transform_indices = @transform_6, window_bounds = array<i64: 1, 128>}, {pipeline_mode = #tpu.pipeline_mode<synchronous>, transform_indices = @transform_7, window_bounds = array<i64: 1, 128>}, {pipeline_mode = #tpu.pipeline_mode<synchronous>, transform_indices = @transform_8, window_bounds = array<i64: 1, 128>}, {transform_indices = @transform_9, window_bounds = array<i64: 2000, 128>}]} {
    %mul3A = arith.constant 2000 : i32
    %mul3A_0 = arith.muli %arg1, %mul3A : i32
    %eq3A = arith.constant 0 : i32
    %eq3A_1 = arith.cmpi eq, %arg0, %eq3A : i32
    %convert_element_type3A = arith.extui %eq3A_1 : i1 to i32
    %cond3A = arith.constant 0 : i32
    %cond3A_2 = arith.cmpi ne, %convert_element_type3A, %cond3A : i32
    scf.if %cond3A_2 {
      %get3A = arith.constant 0 : index
      %get3A_13 = arith.constant 0 : index
      %get3A_14 = arith.constant 0 : index
      %get3A_15 = vector.load %arg2[%get3A, %get3A_13, %get3A_14] : memref<2x2000x128xf32, #tpu.memory_space<vmem>>, vector<1x2000x128xf32>
      %get3A_16 = vector.shape_cast %get3A_15 : vector<1x2000x128xf32> to vector<2000x128xf32>
      %get3A_17 = arith.constant 1 : index
      %get3A_18 = arith.constant 0 : index
      %get3A_19 = arith.constant 0 : index
      %get3A_20 = vector.load %arg2[%get3A_17, %get3A_18, %get3A_19] : memref<2x2000x128xf32, #tpu.memory_space<vmem>>, vector<1x2000x128xf32>
      %get3A_21 = vector.shape_cast %get3A_20 : vector<1x2000x128xf32> to vector<2000x128xf32>
      %add3A = arith.addf %get3A_16, %get3A_21 : vector<2000x128xf32>
      %get3A_22 = arith.constant 0 : index
      %get3A_23 = arith.constant 0 : index
      %get3A_24 = vector.load %arg3[%get3A_22, %get3A_23] : memref<1x128xf32, #tpu.memory_space<vmem>>, vector<1x128xf32>
      %add3A_25 = vector.broadcast %get3A_24 : vector<1x128xf32> to vector<2000x128xf32>
      %add3A_26 = arith.addf %add3A, %add3A_25 : vector<2000x128xf32>
      %swap3A = arith.index_cast %mul3A_0 : i32 to index
      %swap3A_27 = arith.constant 0 : index
      %swap3A_28 = vector.load %arg14[%swap3A, %swap3A_27] : memref<10000x128xf32, #tpu.memory_space<vmem>>, vector<2000x128xf32>
      tpu.vector_store %arg14[%swap3A, %swap3A_27], %add3A_26 {strides = array<i32>} : memref<10000x128xf32, #tpu.memory_space<vmem>>, vector<2000x128xf32>,
      %eq3A_29 = arith.constant 0 : i32
      %eq3A_30 = arith.cmpi eq, %arg1, %eq3A_29 : i32
      %convert_element_type3A_31 = arith.extui %eq3A_30 : i1 to i32
      %cond3A_32 = arith.constant 0 : i32
      %cond3A_33 = arith.cmpi ne, %convert_element_type3A_31, %cond3A_32 : i32
      scf.if %cond3A_33 {
        %broadcast_in_dim3A_53 = arith.constant 0.000000e+00 : f32
        %broadcast_in_dim3A_54 = vector.broadcast %broadcast_in_dim3A_53 : f32 to vector<2x128xf32>
        %swap3A_55 = arith.constant 0 : index
        %swap3A_56 = arith.constant 0 : index
        %swap3A_57 = vector.load %arg12[%swap3A_55, %swap3A_56] : memref<2x128xf32, #tpu.memory_space<vmem>>, vector<2x128xf32>
        tpu.vector_store %arg12[%swap3A_55, %swap3A_56], %broadcast_in_dim3A_54 {strides = array<i32>} : memref<2x128xf32, #tpu.memory_space<vmem>>, vector<2x128xf32>,
        %broadcast_in_dim3A_58 = arith.constant 0.000000e+00 : f32
        %broadcast_in_dim3A_59 = vector.broadcast %broadcast_in_dim3A_58 : f32 to vector<2x128xf32>
        %swap3A_60 = arith.constant 0 : index
        %swap3A_61 = arith.constant 0 : index
        %swap3A_62 = vector.load %arg13[%swap3A_60, %swap3A_61] : memref<2x128xf32, #tpu.memory_space<vmem>>, vector<2x128xf32>
        tpu.vector_store %arg13[%swap3A_60, %swap3A_61], %broadcast_in_dim3A_59 {strides = array<i32>} : memref<2x128xf32, #tpu.memory_space<vmem>>, vector<2x128xf32>,
      } else {
      }
      %get3A_34 = arith.constant 0 : index
      %get3A_35 = arith.constant 0 : index
      %get3A_36 = vector.load %arg12[%get3A_34, %get3A_35] : memref<2x128xf32, #tpu.memory_space<vmem>>, vector<1x128xf32>
      %reduce_sum3A = arith.constant dense<0.000000e+00> : vector<128xf32>
      %reduce_sum3A_37 = vector.multi_reduction <add>, %add3A_26, %reduce_sum3A [0] : vector<2000x128xf32> to vector<128xf32>
      %broadcast_in_dim3A = vector.shape_cast %reduce_sum3A_37 : vector<128xf32> to vector<1x128xf32>
      %add3A_38 = arith.addf %get3A_36, %broadcast_in_dim3A : vector<1x128xf32>
      %swap3A_39 = arith.constant 0 : index
      %swap3A_40 = arith.constant 0 : index
      %swap3A_41 = vector.load %arg12[%swap3A_39, %swap3A_40] : memref<2x128xf32, #tpu.memory_space<vmem>>, vector<1x128xf32>
      tpu.vector_store %arg12[%swap3A_39, %swap3A_40], %add3A_38 {strides = array<i32>} : memref<2x128xf32, #tpu.memory_space<vmem>>, vector<1x128xf32>,
      %get3A_42 = arith.constant 1 : index
      %get3A_43 = arith.constant 0 : index
      %get3A_44 = vector.load %arg12[%get3A_42, %get3A_43] : memref<2x128xf32, #tpu.memory_space<vmem>>, vector<1x128xf32>
      %mul3A_45 = arith.mulf %add3A_26, %add3A_26 : vector<2000x128xf32>
      %reduce_sum3A_46 = arith.constant dense<0.000000e+00> : vector<128xf32>
      %reduce_sum3A_47 = vector.multi_reduction <add>, %mul3A_45, %reduce_sum3A_46 [0] : vector<2000x128xf32> to vector<128xf32>
      %broadcast_in_dim3A_48 = vector.shape_cast %reduce_sum3A_47 : vector<128xf32> to vector<1x128xf32>
      %add3A_49 = arith.addf %get3A_44, %broadcast_in_dim3A_48 : vector<1x128xf32>
      %swap3A_50 = arith.constant 1 : index
      %swap3A_51 = arith.constant 0 : index
      %swap3A_52 = vector.load %arg12[%swap3A_50, %swap3A_51] : memref<2x128xf32, #tpu.memory_space<vmem>>, vector<1x128xf32>
      tpu.vector_store %arg12[%swap3A_50, %swap3A_51], %add3A_49 {strides = array<i32>} : memref<2x128xf32, #tpu.memory_space<vmem>>, vector<1x128xf32>,
    } else {
    }
    %eq3A_3 = arith.constant 1 : i32
    %eq3A_4 = arith.cmpi eq, %arg0, %eq3A_3 : i32
    %convert_element_type3A_5 = arith.extui %eq3A_4 : i1 to i32
    %cond3A_6 = arith.constant 0 : i32
    %cond3A_7 = arith.cmpi ne, %convert_element_type3A_5, %cond3A_6 : i32
    scf.if %cond3A_7 {
      %get3A = arith.constant 0 : index
      %get3A_13 = arith.constant 0 : index
      %get3A_14 = vector.load %arg12[%get3A, %get3A_13] : memref<2x128xf32, #tpu.memory_space<vmem>>, vector<1x128xf32>
      %div3A = arith.constant 1.000000e+04 : f32
      %div3A_15 = vector.broadcast %div3A : f32 to vector<1x128xf32>
      %div3A_16 = arith.divf %get3A_14, %div3A_15 : vector<1x128xf32>
      %get3A_17 = arith.constant 1 : index
      %get3A_18 = arith.constant 0 : index
      %get3A_19 = vector.load %arg12[%get3A_17, %get3A_18] : memref<2x128xf32, #tpu.memory_space<vmem>>, vector<1x128xf32>
      %div3A_20 = arith.constant 1.000000e+04 : f32
      %div3A_21 = vector.broadcast %div3A_20 : f32 to vector<1x128xf32>
      %div3A_22 = arith.divf %get3A_19, %div3A_21 : vector<1x128xf32>
      %mul3A_23 = arith.mulf %div3A_16, %div3A_16 : vector<1x128xf32>
      %sub3A = arith.subf %div3A_22, %mul3A_23 : vector<1x128xf32>
      %get3A_24 = arith.constant 0 : index
      %get3A_25 = arith.constant 0 : index
      %get3A_26 = vector.load %arg4[%get3A_24, %get3A_25] : memref<1x128xf32, #tpu.memory_space<vmem>>, vector<1x128xf32>
      %get3A_27 = arith.index_cast %mul3A_0 : i32 to index
      %get3A_28 = arith.constant 0 : index
      %get3A_29 = vector.load %arg14[%get3A_27, %get3A_28] : memref<10000x128xf32, #tpu.memory_space<vmem>>, vector<2000x128xf32>
      %sub3A_30 = vector.broadcast %div3A_16 : vector<1x128xf32> to vector<2000x128xf32>
      %sub3A_31 = arith.subf %get3A_29, %sub3A_30 : vector<2000x128xf32>
      %mul3A_32 = vector.broadcast %get3A_26 : vector<1x128xf32> to vector<2000x128xf32>
      %mul3A_33 = arith.mulf %mul3A_32, %sub3A_31 : vector<2000x128xf32>
      %add3A = arith.constant 9.99999974E-6 : f32
      %add3A_34 = vector.broadcast %add3A : f32 to vector<1x128xf32>
      %add3A_35 = arith.addf %sub3A, %add3A_34 : vector<1x128xf32>
      %rsqrt3A = math.rsqrt %add3A_35 : vector<1x128xf32>
      %mul3A_36 = vector.broadcast %rsqrt3A : vector<1x128xf32> to vector<2000x128xf32>
      %mul3A_37 = arith.mulf %mul3A_33, %mul3A_36 : vector<2000x128xf32>
      %get3A_38 = arith.constant 0 : index
      %get3A_39 = arith.constant 0 : index
      %get3A_40 = vector.load %arg5[%get3A_38, %get3A_39] : memref<1x128xf32, #tpu.memory_space<vmem>>, vector<1x128xf32>
      %add3A_41 = vector.broadcast %get3A_40 : vector<1x128xf32> to vector<2000x128xf32>
      %add3A_42 = arith.addf %mul3A_37, %add3A_41 : vector<2000x128xf32>
      %gt3A = arith.constant 0.000000e+00 : f32
      %gt3A_43 = vector.broadcast %gt3A : f32 to vector<2000x128xf32>
      %gt3A_44 = arith.cmpf ogt, %add3A_42, %gt3A_43 : vector<2000x128xf32>
      %min3A = arith.constant 0.000000e+00 : f32
      %min3A_45 = vector.broadcast %min3A : f32 to vector<2000x128xf32>
      %min3A_46 = arith.minimumf %add3A_42, %min3A_45 : vector<2000x128xf32>
      %exp3A = math.exp %min3A_46 : vector<2000x128xf32>
      %sub3A_47 = arith.constant 1.000000e+00 : f32
      %sub3A_48 = vector.broadcast %sub3A_47 : f32 to vector<2000x128xf32>
      %sub3A_49 = arith.subf %exp3A, %sub3A_48 : vector<2000x128xf32>
      %select_n3A = arith.select %gt3A_44, %add3A_42, %sub3A_49 : vector<2000x128xi1>, vector<2000x128xf32>
      %get3A_50 = arith.constant 0 : index
      %get3A_51 = arith.constant 0 : index
      %get3A_52 = vector.load %arg6[%get3A_50, %get3A_51] : memref<2000x128xf32, #tpu.memory_space<vmem>>, vector<2000x128xf32>
      %get3A_53 = arith.constant 0 : index
      %get3A_54 = arith.constant 0 : index
      %get3A_55 = vector.load %arg7[%get3A_53, %get3A_54] : memref<128x128xf32, #tpu.memory_space<vmem>>, vector<128x128xf32>
      %dot_general3A = arith.constant dense<0.000000e+00> : vector<2000x128xf32>
      %dot_general3A_56 = tpu.matmul %get3A_52, %get3A_55, %dot_general3A {dimension_numbers = #tpu.dot_dimension_numbers<[1], [0], [0], [1], [0, 0, 1, 1], [], []>, transpose_lhs_hint = false} : vector<2000x128xf32>, vector<128x128xf32>, vector<2000x128xf32> -> vector<2000x128xf32>
      %add3A_57 = arith.addf %select_n3A, %dot_general3A_56 : vector<2000x128xf32>
      %get3A_58 = arith.constant 0 : index
      %get3A_59 = arith.constant 0 : index
      %get3A_60 = vector.load %arg8[%get3A_58, %get3A_59] : memref<1x128xf32, #tpu.memory_space<vmem>>, vector<1x128xf32>
      %add3A_61 = vector.broadcast %get3A_60 : vector<1x128xf32> to vector<2000x128xf32>
      %add3A_62 = arith.addf %add3A_57, %add3A_61 : vector<2000x128xf32>
      %swap3A = arith.index_cast %mul3A_0 : i32 to index
      %swap3A_63 = arith.constant 0 : index
      %swap3A_64 = vector.load %arg14[%swap3A, %swap3A_63] : memref<10000x128xf32, #tpu.memory_space<vmem>>, vector<2000x128xf32>
      tpu.vector_store %arg14[%swap3A, %swap3A_63], %add3A_62 {strides = array<i32>} : memref<10000x128xf32, #tpu.memory_space<vmem>>, vector<2000x128xf32>,
      %get3A_65 = arith.constant 0 : index
      %get3A_66 = arith.constant 0 : index
      %get3A_67 = vector.load %arg13[%get3A_65, %get3A_66] : memref<2x128xf32, #tpu.memory_space<vmem>>, vector<1x128xf32>
      %reduce_sum3A = arith.constant dense<0.000000e+00> : vector<128xf32>
      %reduce_sum3A_68 = vector.multi_reduction <add>, %add3A_62, %reduce_sum3A [0] : vector<2000x128xf32> to vector<128xf32>
      %broadcast_in_dim3A = vector.shape_cast %reduce_sum3A_68 : vector<128xf32> to vector<1x128xf32>
      %add3A_69 = arith.addf %get3A_67, %broadcast_in_dim3A : vector<1x128xf32>
      %swap3A_70 = arith.constant 0 : index
      %swap3A_71 = arith.constant 0 : index
      %swap3A_72 = vector.load %arg13[%swap3A_70, %swap3A_71] : memref<2x128xf32, #tpu.memory_space<vmem>>, vector<1x128xf32>
      tpu.vector_store %arg13[%swap3A_70, %swap3A_71], %add3A_69 {strides = array<i32>} : memref<2x128xf32, #tpu.memory_space<vmem>>, vector<1x128xf32>,
      %get3A_73 = arith.constant 1 : index
      %get3A_74 = arith.constant 0 : index
      %get3A_75 = vector.load %arg13[%get3A_73, %get3A_74] : memref<2x128xf32, #tpu.memory_space<vmem>>, vector<1x128xf32>
      %mul3A_76 = arith.mulf %add3A_62, %add3A_62 : vector<2000x128xf32>
      %reduce_sum3A_77 = arith.constant dense<0.000000e+00> : vector<128xf32>
      %reduce_sum3A_78 = vector.multi_reduction <add>, %mul3A_76, %reduce_sum3A_77 [0] : vector<2000x128xf32> to vector<128xf32>
      %broadcast_in_dim3A_79 = vector.shape_cast %reduce_sum3A_78 : vector<128xf32> to vector<1x128xf32>
      %add3A_80 = arith.addf %get3A_75, %broadcast_in_dim3A_79 : vector<1x128xf32>
      %swap3A_81 = arith.constant 1 : index
      %swap3A_82 = arith.constant 0 : index
      %swap3A_83 = vector.load %arg13[%swap3A_81, %swap3A_82] : memref<2x128xf32, #tpu.memory_space<vmem>>, vector<1x128xf32>
      tpu.vector_store %arg13[%swap3A_81, %swap3A_82], %add3A_80 {strides = array<i32>} : memref<2x128xf32, #tpu.memory_space<vmem>>, vector<1x128xf32>,
    } else {
    }
    %eq3A_8 = arith.constant 2 : i32
    %eq3A_9 = arith.cmpi eq, %arg0, %eq3A_8 : i32
    %convert_element_type3A_10 = arith.extui %eq3A_9 : i1 to i32
    %cond3A_11 = arith.constant 0 : i32
    %cond3A_12 = arith.cmpi ne, %convert_element_type3A_10, %cond3A_11 : i32
    scf.if %cond3A_12 {
      %get3A = arith.constant 0 : index
      %get3A_13 = arith.constant 0 : index
      %get3A_14 = vector.load %arg13[%get3A, %get3A_13] : memref<2x128xf32, #tpu.memory_space<vmem>>, vector<1x128xf32>
      %div3A = arith.constant 1.000000e+04 : f32
      %div3A_15 = vector.broadcast %div3A : f32 to vector<1x128xf32>
      %div3A_16 = arith.divf %get3A_14, %div3A_15 : vector<1x128xf32>
      %get3A_17 = arith.constant 1 : index
      %get3A_18 = arith.constant 0 : index
      %get3A_19 = vector.load %arg13[%get3A_17, %get3A_18] : memref<2x128xf32, #tpu.memory_space<vmem>>, vector<1x128xf32>
      %div3A_20 = arith.constant 1.000000e+04 : f32
      %div3A_21 = vector.broadcast %div3A_20 : f32 to vector<1x128xf32>
      %div3A_22 = arith.divf %get3A_19, %div3A_21 : vector<1x128xf32>
      %mul3A_23 = arith.mulf %div3A_16, %div3A_16 : vector<1x128xf32>
      %sub3A = arith.subf %div3A_22, %mul3A_23 : vector<1x128xf32>
      %get3A_24 = arith.constant 0 : index
      %get3A_25 = arith.constant 0 : index
      %get3A_26 = vector.load %arg9[%get3A_24, %get3A_25] : memref<1x128xf32, #tpu.memory_space<vmem>>, vector<1x128xf32>
      %get3A_27 = arith.index_cast %mul3A_0 : i32 to index
      %get3A_28 = arith.constant 0 : index
      %get3A_29 = vector.load %arg14[%get3A_27, %get3A_28] : memref<10000x128xf32, #tpu.memory_space<vmem>>, vector<2000x128xf32>
      %sub3A_30 = vector.broadcast %div3A_16 : vector<1x128xf32> to vector<2000x128xf32>
      %sub3A_31 = arith.subf %get3A_29, %sub3A_30 : vector<2000x128xf32>
      %mul3A_32 = vector.broadcast %get3A_26 : vector<1x128xf32> to vector<2000x128xf32>
      %mul3A_33 = arith.mulf %mul3A_32, %sub3A_31 : vector<2000x128xf32>
      %add3A = arith.constant 9.99999974E-6 : f32
      %add3A_34 = vector.broadcast %add3A : f32 to vector<1x128xf32>
      %add3A_35 = arith.addf %sub3A, %add3A_34 : vector<1x128xf32>
      %rsqrt3A = math.rsqrt %add3A_35 : vector<1x128xf32>
      %mul3A_36 = vector.broadcast %rsqrt3A : vector<1x128xf32> to vector<2000x128xf32>
      %mul3A_37 = arith.mulf %mul3A_33, %mul3A_36 : vector<2000x128xf32>
      %get3A_38 = arith.constant 0 : index
      %get3A_39 = arith.constant 0 : index
      %get3A_40 = vector.load %arg10[%get3A_38, %get3A_39] : memref<1x128xf32, #tpu.memory_space<vmem>>, vector<1x128xf32>
      %add3A_41 = vector.broadcast %get3A_40 : vector<1x128xf32> to vector<2000x128xf32>
      %add3A_42 = arith.addf %mul3A_37, %add3A_41 : vector<2000x128xf32>
      %gt3A = arith.constant 0.000000e+00 : f32
      %gt3A_43 = vector.broadcast %gt3A : f32 to vector<2000x128xf32>
      %gt3A_44 = arith.cmpf ogt, %add3A_42, %gt3A_43 : vector<2000x128xf32>
      %min3A = arith.constant 0.000000e+00 : f32
      %min3A_45 = vector.broadcast %min3A : f32 to vector<2000x128xf32>
      %min3A_46 = arith.minimumf %add3A_42, %min3A_45 : vector<2000x128xf32>
      %exp3A = math.exp %min3A_46 : vector<2000x128xf32>
      %sub3A_47 = arith.constant 1.000000e+00 : f32
      %sub3A_48 = vector.broadcast %sub3A_47 : f32 to vector<2000x128xf32>
      %sub3A_49 = arith.subf %exp3A, %sub3A_48 : vector<2000x128xf32>
      %select_n3A = arith.select %gt3A_44, %add3A_42, %sub3A_49 : vector<2000x128xi1>, vector<2000x128xf32>
      %swap3A = arith.constant 0 : index
      %swap3A_50 = arith.constant 0 : index
      %swap3A_51 = vector.load %arg11[%swap3A, %swap3A_50] : memref<2000x128xf32, #tpu.memory_space<vmem>>, vector<2000x128xf32>
      tpu.vector_store %arg11[%swap3A, %swap3A_50], %select_n3A {strides = array<i32>} : memref<2000x128xf32, #tpu.memory_space<vmem>>, vector<2000x128xf32>,
    } else {
    }
    return
  }
  func.func @transform_0(%arg0: i32, %arg1: i32) -> (i32, i32, i32) {
    %eq3A = arith.constant 0 : i32
    %eq3A_0 = arith.cmpi eq, %arg0, %eq3A : i32
    %jit3A = arith.constant 0 : i32
    %select_n3A = arith.select %eq3A_0, %arg1, %jit3A : i32
    %c0_i32 = arith.constant 0 : i32
    %c0_i32_1 = arith.constant 0 : i32
    %c0_i32_2 = arith.constant 0 : i32
    return %c0_i32, %select_n3A, %c0_i32_1 : i32, i32, i32
  }
  func.func @transform_1(%arg0: i32, %arg1: i32) -> (i32, i32) {
    %c0_i32 = arith.constant 0 : i32
    %c0_i32_0 = arith.constant 0 : i32
    %c0_i32_1 = arith.constant 0 : i32
    return %c0_i32, %c0_i32_0 : i32, i32
  }
  func.func @transform_2(%arg0: i32, %arg1: i32) -> (i32, i32) {
    %c0_i32 = arith.constant 0 : i32
    %c0_i32_0 = arith.constant 0 : i32
    %c0_i32_1 = arith.constant 0 : i32
    return %c0_i32, %c0_i32_0 : i32, i32
  }
  func.func @transform_3(%arg0: i32, %arg1: i32) -> (i32, i32) {
    %c0_i32 = arith.constant 0 : i32
    %c0_i32_0 = arith.constant 0 : i32
    %c0_i32_1 = arith.constant 0 : i32
    return %c0_i32, %c0_i32_0 : i32, i32
  }
  func.func @transform_4(%arg0: i32, %arg1: i32) -> (i32, i32) {
    %eq3A = arith.constant 1 : i32
    %eq3A_0 = arith.cmpi eq, %arg0, %eq3A : i32
    %jit3A = arith.constant 0 : i32
    %select_n3A = arith.select %eq3A_0, %arg1, %jit3A : i32
    %c0_i32 = arith.constant 0 : i32
    %c0_i32_1 = arith.constant 0 : i32
    return %select_n3A, %c0_i32 : i32, i32
  }
  func.func @transform_5(%arg0: i32, %arg1: i32) -> (i32, i32) {
    %c0_i32 = arith.constant 0 : i32
    %c0_i32_0 = arith.constant 0 : i32
    %c0_i32_1 = arith.constant 0 : i32
    return %c0_i32, %c0_i32_0 : i32, i32
  }
  func.func @transform_6(%arg0: i32, %arg1: i32) -> (i32, i32) {
    %c0_i32 = arith.constant 0 : i32
    %c0_i32_0 = arith.constant 0 : i32
    %c0_i32_1 = arith.constant 0 : i32
    return %c0_i32, %c0_i32_0 : i32, i32
  }
  func.func @transform_7(%arg0: i32, %arg1: i32) -> (i32, i32) {
    %c0_i32 = arith.constant 0 : i32
    %c0_i32_0 = arith.constant 0 : i32
    %c0_i32_1 = arith.constant 0 : i32
    return %c0_i32, %c0_i32_0 : i32, i32
  }
  func.func @transform_8(%arg0: i32, %arg1: i32) -> (i32, i32) {
    %c0_i32 = arith.constant 0 : i32
    %c0_i32_0 = arith.constant 0 : i32
    %c0_i32_1 = arith.constant 0 : i32
    return %c0_i32, %c0_i32_0 : i32, i32
  }
  func.func @transform_9(%arg0: i32, %arg1: i32) -> (i32, i32) {
    %eq3A = arith.constant 2 : i32
    %eq3A_0 = arith.cmpi eq, %arg0, %eq3A : i32
    %jit3A = arith.constant 0 : i32
    %select_n3A = arith.select %eq3A_0, %arg1, %jit3A : i32
    %c0_i32 = arith.constant 0 : i32
    %c0_i32_1 = arith.constant 0 : i32
    return %select_n3A, %c0_i32 : i32, i32
  }
}

</mosaic_0001>

<sc_bundles>
// kernel: kernel.10.cloned.1.call-start
scs
__scs_entry_jumppad:
0x0: {  	(pc) =	sbr.rel $0x88, $3  }
0x1: {  	(tag) =	ssettag $0x0;
	lr =	simm.s32 $0x1  }
0x2: {  	[smem:$0x3F92] =	sst lr;
	_ =	strace $0xD0000000  }
0x3: {  	_ = 	snop  }
0x4: {  	_ = 	snop  }
0x5: {  	_ = 	snop  }
0x6: {  	_ = 	snop  }
0x7: {  	_ = 	snop  }
__scs_overlays_trampoline_lowered:
0x8: {  	[smem:$0x3FA1] =	sst s0  }
0x9: {  	[smem:$0x3FA2] =	sst s1  }
0xa: {  	[smem:$0x3FA3] =	sst s2  }
0xb: {  	[smem:$0x3FA4] =	sst s3  }
0xc: {  	[smem:$0x3FA5] =	sst s4  }
0xd: {  	[smem:$0x3FA6] =	sst s5  }
0xe: {  	[smem:$0x3FA7] =	sst s6  }
0xf: {  	[smem:$0x3FA8] =	sst s7  }
0x10: {  	[smem:$0x3FA9] =	sst s8  }
0x11: {  	[smem:$0x3FAA] =	sst s9;
	s0 =	simm.s32 @!p0 $0x0  }
0x12: {  	s1 =	sld [smem:$0x3F90];
	s0 =	simm.s32 @p0 $0x1  }
0x13: {  	[smem:$0x3FAB] =	sst s0;
	s0 =	simm.s32 @!p1 $0x0  }
0x14: {  	s2 =	sld [smem:$0x3F8F];
	s0 =	simm.s32 @p1 $0x1  }
0x15: {  	[smem:$0x3FAC] =	sst s0;
	s0 =	simm.s32 @!p2 $0x0  }
0x16: {  	s3 =	sld [smem:$0x3FDB];
	s0 =	simm.s32 @p2 $0x1  }
0x17: {  	s4 =	simm.s32 $0x1BF5;
	[smem:$0x3FAE] =	sst s0  }
0x18: {  	s0 =	sld [smem:$0x3F91];
	_ =	swait.ge [sflag:s4], $0x0  }
0x19: {  	s7 =	sld [smem:$0x3F92]  }
0x1a: {  	s8 =	sadd.s32 $0xFFFFE003, lr  }
0x1b: {  	s9 =	sadd.s32 $0xFFFFFEF7, lr;
	s5 =	simm.s32 $0xFFFFFFFF;
	p2 =	slt.u32 s8, $0xFFFFF086  }
0x1c: {  	p1 =	slt.u32 s9, $0xF7A;
	s5 =	simm.s32 @!p2 $0x0  }
0x1d: {  	s5 =	simm.s32 @p1 $0x1;
	p0 =	seq.s32 s7, s2  }
0x1e: {  	s7 =	smul.u32 @!p0 $0xF7A, s2;
	p2 =	seq.s32 @!p0 s5, $0x0  }
0x1f: {  	s9 =	smul.u32 $0xF7A, s1;
	s8 =	simm.s32 @!p0 $0x1BF5;
	p2 =	por !p2, p0  }
0x20: {  	[sflag:s8] =	ssyncset.s32 @!p0 $0xFFFFF086;
	s6 =	sadd.s32 @!p0 s3, s7;
	s7 =	simm.s32 @!p0 $0x108  }
0x21: {  	s3 =	sadd.s32 s3, s9;
	s6 =	sadd.s32 @!p0 $0x88, s6;
	s7 =	simm.s32 @p2 $0x1082  }
0x22: {  	[simem:s7], [sflag:s8] =	dma.local @!p0 [hbm:s6], $0xF7A  }
0x23: {  	s9 =	sor.u32 $0xD0000000, s2;
	s6 =	simm.s32 $0x108;
	_ =	swait.ge @!p0 [sflag:s8], $0x0  }
0x24: {  	s3 =	sadd.s32 $0x88, s3;
	s6 =	simm.s32 @!p1 $0x1082;
	[sflag:s4] =	ssyncset.s32 $0xFFFFF086  }
0x25: {  	[simem:s6], [sflag:s4] =	dma.local [hbm:s3], $0xF7A  }
0x26: {  	[smem:$0x3F92] =	sst s1;
	(tag) =	ssettag s2;
	_ =	strace s9  }
0x27: {  	s1 =	sld [smem:$0x3FA2]  }
0x28: {  	s2 =	sld [smem:$0x3FA3]  }
0x29: {  	s4 =	sld [smem:$0x3FA5]  }
0x2a: {  	p0 =	seq.s32 s5, $0x0;
	s5 =	sld [smem:$0x3FA6]  }
0x2b: {  	s6 =	sld [smem:$0x3FA7]  }
0x2c: {  	s7 =	sld [smem:$0x3FA8]  }
0x2d: {  	s3 =	simm.s32 $0x108;
	s8 =	sld [smem:$0x3FA9]  }
0x2e: {  	s3 =	simm.s32 @!p0 $0x1082;
	s9 =	sld [smem:$0x3FAA]  }
0x2f: {  	lr =	sadd.s32 s0, s3;
	s0 =	sld [smem:$0x3FA1]  }
0x30: {  	s3 =	sld [smem:$0x3FA4]  }
0x31: {  	[smem:$0x3FAD] =	sst s10  }
0x32: {  	s10 =	sld [smem:$0x3FAB];
	_ =	sdelay $0x3  }
0x33: {  	p0 =	seq.s32 s10, $0x1;
	s10 =	sld [smem:$0x3FAD];
	_ =	sdelay $0x3  }
0x34: {  	[smem:$0x3FAD] =	sst s10  }
0x35: {  	s10 =	sld [smem:$0x3FAC];
	_ =	sdelay $0x3  }
0x36: {  	p1 =	seq.s32 s10, $0x1;
	s10 =	sld [smem:$0x3FAD];
	_ =	sdelay $0x3  }
0x37: {  	[smem:$0x3FAD] =	sst s10  }
0x38: {  	s10 =	sld [smem:$0x3FAE]  }
0x39: {  	_ = 	snop;
	(pc) =	sbr.ind lr, $3  }
0x3a: {  	_ = 	snop  }
0x3b: {  	_ = 	snop  }
0x3c: {  	p2 =	seq.s32 s10, $0x1;
	s10 =	sld [smem:$0x3FAD]  }
0x3d: {  	_ =	shalt  }
0x3e: {  	_ =	shalt  }
0x3f: {  	_ =	shalt  }
0x40: {  	_ =	shalt  }
0x41: {  	_ =	shalt  }
0x42: {  	_ =	shalt  }
0x43: {  	_ =	shalt  }
0x44: {  	_ =	shalt  }
0x45: {  	_ =	shalt  }
0x46: {  	_ =	shalt  }
0x47: {  	_ =	shalt  }
0x48: {  	_ =	shalt  }
0x49: {  	_ =	shalt  }
0x4a: {  	_ =	shalt  }
0x4b: {  	_ =	shalt  }
0x4c: {  	_ =	shalt  }
0x4d: {  	_ =	shalt  }
0x4e: {  	_ =	shalt  }
0x4f: {  	_ =	shalt  }
0x50: {  	_ =	shalt  }
0x51: {  	_ =	shalt  }
0x52: {  	_ =	shalt  }
0x53: {  	_ =	shalt  }
0x54: {  	_ =	shalt  }
0x55: {  	_ =	shalt  }
0x56: {  	_ =	shalt  }
0x57: {  	_ =	shalt  }
0x58: {  	_ =	shalt  }
0x59: {  	_ =	shalt  }
0x5a: {  	_ =	shalt  }
0x5b: {  	_ =	shalt  }
0x5c: {  	_ =	shalt  }
0x5d: {  	_ =	shalt  }
0x5e: {  	_ =	shalt  }
0x5f: {  	_ =	shalt  }
0x60: {  	_ =	shalt  }
0x61: {  	_ =	shalt  }
0x62: {  	_ =	shalt  }
0x63: {  	_ =	shalt  }
0x64: {  	_ =	shalt  }
0x65: {  	_ =	shalt  }
0x66: {  	_ =	shalt  }
0x67: {  	_ =	shalt  }
0x68: {  	_ =	shalt  }
0x69: {  	_ =	shalt  }
0x6a: {  	_ =	shalt  }
0x6b: {  	_ =	shalt  }
0x6c: {  	_ =	shalt  }
0x6d: {  	_ =	shalt  }
0x6e: {  	_ =	shalt  }
0x6f: {  	_ =	shalt  }
0x70: {  	_ =	shalt  }
0x71: {  	_ =	shalt  }
0x72: {  	_ =	shalt  }
0x73: {  	_ =	shalt  }
0x74: {  	_ =	shalt  }
0x75: {  	_ =	shalt  }
0x76: {  	_ =	shalt  }
0x77: {  	_ =	shalt  }
0x78: {  	_ =	shalt  }
0x79: {  	_ =	shalt  }
0x7a: {  	_ =	shalt  }
0x7b: {  	_ =	shalt  }
0x7c: {  	_ =	shalt  }
0x7d: {  	_ =	shalt  }
0x7e: {  	_ =	shalt  }
0x7f: {  	_ =	shalt  }
0x80: {  	_ =	shalt  }
0x81: {  	_ =	shalt  }
0x82: {  	_ =	shalt  }
0x83: {  	_ =	shalt  }
0x84: {  	_ =	shalt  }
0x85: {  	_ =	shalt  }
0x86: {  	_ =	shalt  }
0x87: {  	_ =	shalt  }
.Lfunc_end0:
.L_simem_size_0:
called_computation.1_lowered:
.L_overlay_start_0:
0x88: {  	s2 =	sld [smem:$0x3FD9]  }
0x89: {  	s3 =	sld [smem:$0x3FFE];
	_ =	sdelay $0x1  }
0x8a: {  	s1 =	srdreg.scid  }
0x8b: {  	s0 =	sand.u32 $0x1, s1  }
0x8c: {  	s17 =	sshll.u32 s0, $0xA;
	s2 =	sadd.s32 s3, s2  }
0x8d: {  	s2 =	sadd.s32 s2, s17  }
0x8e: {  	[smem:$0x3FB9] =	sst s2  }
0x8f: {  	_ = 	snop  }
0x90: {  	s2 =	sld [smem:$0x3FD0];
	(tm) =	ssettm $0x1  }
0x91: {  	s18 =	sld [smem:$0x3FFB];
	_ =	sdelay $0x3  }
0x92: {  	_ =	strace s18  }
0x93: {  	s3 =	sld [smem:$0x3FFC];
	_ =	sdelay $0x3  }
0x94: {  	_ =	strace s3  }
0x95: {  	s3 =	sld [smem:$0x3FFD];
	_ =	sdelay $0x3  }
0x96: {  	_ =	strace s3  }
0x97: {  	_ =	strace $0x8FFFFFFF  }
0x98: {  	s19 =	sld [smem:$0x3FDB];
	_ =	sdelay $0x1  }
0x99: {  	s4 =	simm.s32 $_scs_section_size  }
0x9a: {  	s5 =	simm.s32 $_size__tile_overlayer_lowered;
	s6 =	simm.s32 $_tile_overlayer_lowered  }
0x9b: {  	s22 =	simm.s32 $0x1BFF;
	s21 =	sshll.u32 s6, $0x1;
	s3 =	sadd.s32 s4, s19  }
0x9c: {  	s7 =	simm.s32 $0x0;
	s20 =	sshll.u32 s5, $0x1;
	s5 =	sadd.s32 s21, s3  }
0x9d: {  	[timem:s7], [sflag:s22] =	dma.local [hbm:s5], s20  }
0x9e: {  	_ =	swait.ge [sflag:s22], s20  }
0x9f: {  	s4 =	ssub.s32 $0x0, s20;
	[sflag:s22] =	ssyncset.done $0x0  }
0xa0: {  	[sflag:s22] =	ssyncadd.s32 s4;
	_ =	sdelay $0x1  }
0xa1: {  	s23 =	simm.s32 $0x1B8B  }
0xa2: {  	_ =	swait.ge [sflag:s23], $0x1  }
0xa3: {  	[sflag:s23] =	ssyncset.done $0x0  }
0xa4: {  	s25 =	simm.s32 $0x1B8E;
	s24 =	sld [smem:$0x3FFE];
	[sflag:s23] =	ssyncadd.s32 $0xFFFFFFFF  }
0xa5: {  	s26 =	simm.s32 $execute0_lowered;
	[smem:$0x3FD2] =	sst s25  }
0xa6: {  	s5 =	sshll.u32 s26, $0x1;
	_ =	strace $0x80000049;
	[dreg:$0x1] =	wrdreg $0xFFFFFFFF  }
0xa7: {  	s28 =	simm.s32 $_size_execute0_lowered;
	s3 =	sadd.s32 s3, s5;
	[dreg:$0x0] =	wrdreg $0x0  }
0xa8: {  	s5 =	sshll.u32 s28, $0x1;
	[dreg:$0x2] =	wrdreg s3  }
0xa9: {  	[dreg:$0x3] =	wrdreg s5  }
0xaa: {  	[dreg:$0x4] =	wrdreg $0xC0  }
0xab: {  	_ =	task [dreg:s7], $0x5FFFF  }
0xac: {  	[dreg:$0x1] =	wrdreg $0xFFFFFFFF  }
0xad: {  	[dreg:$0x0] =	wrdreg $0x60  }
0xae: {  	[dreg:$0x2] =	wrdreg s24  }
0xaf: {  	[dreg:$0x3] =	wrdreg s2  }
0xb0: {  	[dreg:$0x4] =	wrdreg $0xA9000  }
0xb1: {  	[dreg:$0x5] =	wrdreg $0x9  }
0xb2: {  	_ =	task.clear_ibuf [dreg:s7], $0x6FFFF;
	_ =	strace $0x90000049  }
0xb3: {  	s29 =	simm.s32 $0x9;
	_ =	strace $0x8000004B  }
0xb4: {  	_ =	swait.ge [sflag:s29], $0x1  }
0xb5: {  	[sflag:s29] =	ssyncadd.s32 $0xFFFFFFFF  }
0xb6: {  	_ =	strace $0x9000004B  }
0xb7: {  	_ =	sfence  }
0xb8: {  	s30 =	sld [smem:$0x0];
	_ =	sdelay $0x2  }
0xb9: {  	s31 =	sshll.u32 s1, $0xD;
	s1 =	sshrl.u32 s1, $0x2  }
0xba: {  	s3 =	sand.u32 $0x4000, s31;
	s1 =	sadd.s32 s1, s30  }
0xbb: {  	s0 =	sor.u32 s3, s0;
	s1 =	sshll.u32 s1, $0x11  }
0xbc: {  	s0 =	sor.u32 s1, s0  }
0xbd: {  	s0 =	sadd.s32 $0x8F2B, s0  }
0xbe: {  	[sflag:s0] =	ssyncadd.remote.s32 $0x1  }
0xbf: {  	_ =	sfence.sel $0xFFFF  }
0xc0: {  	[dreg:$0x0] =	wrdreg $0xFFFFFFFF;
	(pc) =	sbr.abs _section_cstart, $3  }
0xc1: {  	[dreg:$0x1] =	wrdreg $0xFFFFFFFF  }
0xc2: {  	_ =	task.clear_ibuf [dreg:s7], $0x2FFFF;
	_ =	strace $0x9FFFFFFF  }
0xc3: {  	(tm) =	ssettm $0x7FFFFFFF  }
tec
execute0_lowered:
.L_overlay_start_1:
0x0: {  	(tag) =	ssettag $0x1  }
0x1: {  	s0 =	srdreg.scid;
	s5 =	rddreg [dreg:$0x0]  }
0x2: {  	s6 =	rddreg [dreg:$0x1];
	s20 =	stileid.u32  }
0x3: {  	s1 =	rddreg [dreg:$0x2];
	s16 =	simm.s32 $0x5;
	s17 =	simm.s32 $0x80  }
0x4: {  	s18 =	simm.s32 $0x2900;
	s19 =	simm.s32 $0x2780;
	s11 =	smul.u32 $0x4E000, s20  }
0x5: {  	s29 =	simm.s32 $0x2880;
	s30 =	simm.s32 $0x10;
	s23 =	smul.u32 $0x13800, s20  }
0x6: {  	s0 =	sand.u32 $0x1, s0;
	s25 =	sadd.s32 $0x138000, s1;
	s14 =	smul.u32 $0x2710, s20  }
0x7: {  	p0 =	sne.s32 s20, $0x0;
	s31 =	sshll.u32 s20, $0x6;
	s21 =	smul.u32 $0x138800, s0  }
0x8: {  	s2 =	sshll.u32 s0, $0x4;
	s9 =	ssub.s32 $0x2, s0;
	s0 =	smul.u32 $0x27100, s0  }
0x9: {  	s3 =	sor.u32 s20, s2;
	s2 =	simm.s32 $0x0;
	s10 =	sshrl.u32 s9, $0x1  }
0xa: {  	s22 =	sshrl.u32 s11, $0x2;
	s20 =	sor.u32 $0x1C05, s31;
	s4 =	smul.u32 $0x2710, s3  }
0xb: {  	[smem:$0x7FF] =	sst s2;
	s3 =	sadd.s32 $0xCA00, s5;
	s12 =	ssub.s32 s9, s10  }
0xc: {  	s26 =	sadd.s32 s23, s21;
	s15 =	sshrl.u32 s21, $0x3;
	s0 =	sadd.s32 s14, s0  }
0xd: {  	s21 =	simm.s32 $0x1;
	s23 =	simm.s32 $0x6900;
	_ =	strace $0x8000004A  }
0xe: {  	[dreg:$0x7] =	wrdreg s25;
	s11 =	sshrl.u32 s26, $0x3;
	s28 =	sadd.s32 $0x4E280, s0  }
0xf: {  	s0 =	sadd.s32 $0x4E300, s0;
	s12 =	smax.u32 s12, $0x1;
	s25 =	simm.s32 $0x2  }
0x10: {  	s26 =	simm.s32 $0x4;
	s7 =	sshrl.u32 s4, $0x3;
	s4 =	sadd.s32 $0x16C400, s5  }
0x11: {  	s0 =	sshrl.u32 s0, $0x3;
	s8 =	sadd.s32 s7, s5;
	s5 =	sadd.s32 $0x16EC00, s5  }
0x12: {  	s13 =	sadd.s32 s6, s7;
	s7 =	sadd.s32 s22, s1;
	s22 =	simm.s32 $0x3  }
0x13: {  	s8 =	sadd.s32 $0x2C00, s8;
	s24 =	sadd.s32 $0x9C40, s13;
	[dreg:$0x6] =	wrdreg s7  }
0x14: {  	s9 =	sadd.s32 $0xA120, s13;
	s10 =	sadd.s32 s5, s11;
	s5 =	sadd.s32 s5, s15  }
0x15: {  	s13 =	sadd.s32 $0xA110, s13;
	s15 =	sadd.s32 s0, s6;
	s0 =	simm.s32 $0x0  }
0x16: {  	[dreg:$0x4] =	wrdreg s8;
	s11 =	sadd.s32 $0x27000, s5;
	s5 =	sshrl.u32 s28, $0x3  }
0x17: {  	[dreg:$0x5] =	wrdreg s24;
	s24 =	simm.s32 $0x2800;
	s14 =	sadd.s32 s5, s6  }
.LBB2_1:
0x18: {  	s5 =	rddreg [dreg:$0x4]  }
0x19: {  	[tilespmem:s2], [sflag:$0x5] =	stream.linear.gather [hbm4b:s5+s2], $0x2710, $0x38;
	[tilespmem:$0x1E180] =	vst v63  }
0x1a: {  	_ =	swait.ge [sflag:s16], $0x2710  }
0x1b: {  	[sflag:s16] =	ssyncset.done $0x0  }
0x1c: {  	s8 =	rddreg [dreg:$0x6];
	[sflag:s16] =	ssyncadd.s32 $0xFFFFD8F0  }
0x1d: {  	[tilespmem:s18], [sflag:$0x1] =	stream.indirect.gather [hbm4b:s3+s17], $0x80, s2, s17, $0xb8;
	[tilespmem:$0x1E180] =	vst v63  }
0x1e: {  	s7 =	rddreg [dreg:$0x5];
	s28 =	sshrl.u32 s8, $0x3  }
0x1f: {  	[tilespmem:s19], [sflag:$0x3] =	stream.linear.gather [hbm4b:s7+s2], $0x80, $0x38;
	[tilespmem:$0x1E180] =	vst v63  }
0x20: {  	[spmem:s28], [sflag:s20] =	dma.local [hbm:s4], $0x2700  }
0x21: {  	_ =	swait.ge [sflag:s16], $0x2700  }
0x22: {  	[sflag:s16] =	ssyncset.done $0x0;
	s5 =	rddreg [dreg:$0x7]  }
0x23: {  	[sflag:s16] =	ssyncadd.s32 $0xFFFFD900;
	s31 =	sshrl.u32 @!p0 s5, $0x3;
	s5 =	simm.s32 @!p0 $0x5  }
0x24: {  	[spmem:s31], [sflag:s20] =	dma.local @!p0 [hbm:s4], $0x100  }
0x25: {  	_ =	swait.ge @!p0 [sflag:s5], $0x100  }
0x26: {  	[sflag:s5] =	ssyncset.done @!p0 $0x0  }
0x27: {  	[sflag:s5] =	ssyncadd.s32 @!p0 $0xFFFFFF00  }
0x28: {  	[bflag:$0x0] =	sbarrier.arrive $0xFFFF  }
0x29: {  	_ =	swait.ge [sflag:s21], $0x4000  }
0x2a: {  	[sflag:s21] =	ssyncset.done $0x0  }
0x2b: {  	[sflag:s21] =	ssyncadd.s32 $0xFFFFC000  }
0x2c: {  	_ =	swait.ge [sflag:s22], $0x80  }
0x2d: {  	[sflag:s22] =	ssyncset.done $0x0  }
0x2e: {  	[sflag:s22] =	ssyncadd.s32 $0xFFFFFF80  }
0x2f: {  	[tilespmem:s23], [sflag:$0x2] =	stream.indirect.gather [hbm4b:s3+s17], $0x80, s17, s17, $0xb8;
	[tilespmem:$0x1E180] =	vst v63  }
0x30: {  	s6 =	sadd.s32 $0x0, s14  }
0x31: {  	[tilespmem:s24], [sflag:$0x4] =	stream.linear.gather [hbm4b:s6+s2], $0x80, $0x38;
	[tilespmem:$0x1E180] =	vst v63  }
0x32: {  	_ = 	snop  }
0x33: {  	[spmem:s1] =	stream.indirect.scatter.add.f32 [tilespmem:s18], [sflag:$0x5], $0x80, s19, s17, $0xb8;
	[tilespmem:$0x1E180] =	vst v63  }
0x34: {  	_ =	swait.ge [sflag:s16], $0x4000  }
0x35: {  	[sflag:s16] =	ssyncset.done $0x0  }
0x36: {  	s7 =	simm.s32 $0x100;
	[sflag:s16] =	ssyncadd.s32 $0xFFFFC000  }
0x37: {  	[tilespmem:s18], [sflag:$0x1] =	stream.indirect.gather [hbm4b:s3+s17], $0x80, s7, s17, $0xb8;
	[tilespmem:$0x1E180] =	vst v63  }
0x38: {  	s8 =	sadd.s32 $0x0, s15  }
0x39: {  	[tilespmem:s19], [sflag:$0x3] =	stream.linear.gather [hbm4b:s8+s2], $0x80, $0x38;
	[tilespmem:$0x1E180] =	vst v63  }
0x3a: {  	_ =	swait.ge [sflag:s25], $0x4000  }
0x3b: {  	[sflag:s25] =	ssyncset.done $0x0  }
0x3c: {  	[sflag:s25] =	ssyncadd.s32 $0xFFFFC000  }
0x3d: {  	_ =	swait.ge [sflag:s26], $0x80  }
0x3e: {  	[sflag:s26] =	ssyncset.done $0x0  }
0x3f: {  	[sflag:s26] =	ssyncadd.s32 $0xFFFFFF80  }
0x40: {  	[spmem:s1] =	stream.indirect.scatter.add.f32 [tilespmem:s23], [sflag:$0x5], $0x80, s24, s17, $0xb8;
	[tilespmem:$0x1E180] =	vst v63  }
0x41: {  	_ =	swait.ge [sflag:s16], $0x4000  }
0x42: {  	s5 =	simm.s32 $0x20;
	s6 =	simm.s32 $0x80;
	[sflag:s16] =	ssyncset.done $0x0  }
.LBB2_2:
0x43: {  	p1 =	sne.s32 s5, $0x4A0;
	[sflag:s16] =	ssyncadd.s32 $0xFFFFC000;
	s6 =	sadd.s32 $0x100, s6  }
0x44: {  	s7 =	smov.u32 s5;
	s5 =	sadd.s32 $0x20, s5;
	_ =	swait.ge [sflag:s21], $0x4000  }
0x45: {  	[sflag:s21] =	ssyncset.done $0x0  }
0x46: {  	[sflag:s21] =	ssyncadd.s32 $0xFFFFC000  }
0x47: {  	_ =	swait.ge [sflag:s22], $0x80  }
0x48: {  	[sflag:s22] =	ssyncset.done $0x0  }
0x49: {  	[sflag:s22] =	ssyncadd.s32 $0xFFFFFF80  }
0x4a: {  	[tilespmem:s23], [sflag:$0x2] =	stream.indirect.gather [hbm4b:s3+s17], $0x80, s6, s17, $0xb8;
	[tilespmem:$0x1E180] =	vst v63  }
0x4b: {  	s8 =	sadd.s32 s7, s14  }
0x4c: {  	[tilespmem:s24], [sflag:$0x4] =	stream.linear.gather [hbm4b:s8+s2], $0x80, $0x38;
	[tilespmem:$0x1E180] =	vst v63  }
0x4d: {  	_ = 	snop  }
0x4e: {  	[spmem:s1] =	stream.indirect.scatter.add.f32 [tilespmem:s18], [sflag:$0x5], $0x80, s19, s17, $0xb8;
	[tilespmem:$0x1E180] =	vst v63  }
0x4f: {  	_ =	swait.ge [sflag:s16], $0x4000  }
0x50: {  	[sflag:s16] =	ssyncset.done $0x0  }
0x51: {  	s8 =	sadd.s32 $0x80, s6;
	[sflag:s16] =	ssyncadd.s32 $0xFFFFC000  }
0x52: {  	[tilespmem:s18], [sflag:$0x1] =	stream.indirect.gather [hbm4b:s3+s17], $0x80, s8, s17, $0xb8;
	[tilespmem:$0x1E180] =	vst v63  }
0x53: {  	s7 =	sadd.s32 s7, s15  }
0x54: {  	[tilespmem:s19], [sflag:$0x3] =	stream.linear.gather [hbm4b:s7+s2], $0x80, $0x38;
	[tilespmem:$0x1E180] =	vst v63  }
0x55: {  	_ =	swait.ge [sflag:s25], $0x4000  }
0x56: {  	[sflag:s25] =	ssyncset.done $0x0  }
0x57: {  	[sflag:s25] =	ssyncadd.s32 $0xFFFFC000  }
0x58: {  	_ =	swait.ge [sflag:s26], $0x80  }
.Ltmp0:
0x59: {  	[sflag:s26] =	ssyncset.done $0x0;
	(pc) =	sbr.rel @p1 .LBB2_2-.Ltmp0, $4  }
0x5a: {  	[sflag:s26] =	ssyncadd.s32 $0xFFFFFF80  }
0x5b: {  	[spmem:s1] =	stream.indirect.scatter.add.f32 [tilespmem:s23], [sflag:$0x5], $0x80, s24, s17, $0xb8;
	[tilespmem:$0x1E180] =	vst v63  }
0x5c: {  	_ =	swait.ge [sflag:s16], $0x4000  }
0x5d: {  	[sflag:s16] =	ssyncset.done $0x0  }
0x5e: {  	[sflag:s16] =	ssyncadd.s32 $0xFFFFC000  }
0x5f: {  	_ =	swait.ge [sflag:s21], $0x4000  }
0x60: {  	[sflag:s21] =	ssyncset.done $0x0  }
0x61: {  	[sflag:s21] =	ssyncadd.s32 $0xFFFFC000  }
0x62: {  	_ =	swait.ge [sflag:s22], $0x80  }
0x63: {  	[sflag:s22] =	ssyncset.done $0x0  }
0x64: {  	s5 =	simm.s32 $0x2680;
	[sflag:s22] =	ssyncadd.s32 $0xFFFFFF80  }
0x65: {  	[tilespmem:s23], [sflag:$0x2] =	stream.indirect.gather [hbm4b:s3+s17], $0x80, s5, s17, $0xb8;
	[tilespmem:$0x1E180] =	vst v63  }
0x66: {  	_ = 	snop  }
0x67: {  	[tilespmem:s24], [sflag:$0x4] =	stream.linear.gather [hbm4b:s13+s2], $0x80, $0x38;
	[tilespmem:$0x1E180] =	vst v63  }
0x68: {  	_ = 	snop  }
0x69: {  	[spmem:s1] =	stream.indirect.scatter.add.f32 [tilespmem:s18], [sflag:$0x5], $0x80, s19, s17, $0xb8;
	[tilespmem:$0x1E180] =	vst v63  }
0x6a: {  	_ =	swait.ge [sflag:s16], $0x4000  }
0x6b: {  	[sflag:s16] =	ssyncset.done $0x0  }
0x6c: {  	[sflag:s16] =	ssyncadd.s32 $0xFFFFC000  }
0x6d: {  	_ =	swait.ge [sflag:s25], $0x4000  }
0x6e: {  	[sflag:s25] =	ssyncset.done $0x0  }
0x6f: {  	[sflag:s25] =	ssyncadd.s32 $0xFFFFC000  }
0x70: {  	_ =	swait.ge [sflag:s26], $0x80  }
0x71: {  	[sflag:s26] =	ssyncset.done $0x0  }
0x72: {  	[sflag:s26] =	ssyncadd.s32 $0xFFFFFF80  }
0x73: {  	[spmem:s1] =	stream.indirect.scatter.add.f32 [tilespmem:s23], [sflag:$0x5], $0x80, s24, s17, $0xb8;
	[tilespmem:$0x1E180] =	vst v63  }
0x74: {  	_ =	swait.ge [sflag:s16], $0x4000  }
0x75: {  	[sflag:s16] =	ssyncset.done $0x0  }
0x76: {  	[sflag:s16] =	ssyncadd.s32 $0xFFFFC000  }
0x77: {  	[tilespmem:s29], [sflag:$0x5] =	stream.linear.gather [hbm4b:s9+s2], $0x10, $0x38;
	[tilespmem:$0x1E180] =	vst v63  }
0x78: {  	_ =	swait.ge [sflag:s16], $0x10  }
0x79: {  	[sflag:s16] =	ssyncset.done $0x0  }
0x7a: {  	s8 =	simm.s32 $0x2700;
	[sflag:s16] =	ssyncadd.s32 $0xFFFFFFF0  }
0x7b: {  	[tilespmem:s18], [sflag:$0x1] =	stream.indirect.gather [hbm4b:s3+s30], $0x80, s8, s30, $0xb8;
	[tilespmem:$0x1E180] =	vst v63  }
0x7c: {  	_ =	swait.ge [sflag:s21], $0x800  }
0x7d: {  	[sflag:s21] =	ssyncset.done $0x0  }
0x7e: {  	[sflag:s21] =	ssyncadd.s32 $0xFFFFF800  }
0x7f: {  	[spmem:s1] =	stream.indirect.scatter.add.f32 [tilespmem:s18], [sflag:$0x5], $0x80, s29, s30, $0xb8;
	[tilespmem:$0x1E180] =	vst v63  }
0x80: {  	_ =	swait.ge [sflag:s16], $0x800  }
0x81: {  	[sflag:s16] =	ssyncset.done $0x0  }
0x82: {  	[sflag:s16] =	ssyncadd.s32 $0xFFFFF800  }
0x83: {  	[bflag:$0x0] =	sbarrier.arrive $0xFFFF  }
0x84: {  	[hbm:s10], [sflag:s20] =	dma.local [spmem:s28], $0x2700  }
0x85: {  	s0 =	sadd.s32 $0x1, s0;
	_ =	swait.ge [sflag:s16], $0x2700  }
0x86: {  	p1 =	sne.s32 s0, s12;
	[sflag:s16] =	ssyncset.done $0x0  }
.Ltmp1:
0x87: {  	s5 =	simm.s32 @!p0 $0x5;
	[sflag:s16] =	ssyncadd.s32 $0xFFFFD900;
	(pc) =	sbr.rel @p1 .LBB2_1-.Ltmp1, $4  }
0x88: {  	[hbm:s11], [sflag:s20] =	dma.local @!p0 [spmem:s31], $0x100  }
0x89: {  	_ =	swait.ge @!p0 [sflag:s5], $0x100  }
0x8a: {  	[sflag:s5] =	ssyncset.done @!p0 $0x0  }
0x8b: {  	[sflag:s5] =	ssyncadd.s32 @!p0 $0xFFFFFF00  }
0x8c: {  	_ =	sfence.sel $0x180000  }
0x8d: {  	[bflag:$0x0] =	sbarrier.arrive $0xFFFF  }
0x8e: {  	_ =	strace $0x9000004A  }
0x8f: {  	[bflag:$0x2] =	sbarrier.arrive $0xFFFF  }
0x90: {  	s0 =	rddreg [dreg:$0x3]  }
0x91: {  	s0 =	sadd.s32 @!p0 $0x100000, s0  }
0x92: {  	[sflag:s0] =	ssyncadd.tile.s32 @!p0 $0x1;
	_ =	shalt  }
.Lfunc_end2:
_tile_overlayer_lowered:
.L_overlay_start_2:
0x93: {  	(tag) =	ssettag $0x2  }
0x94: {  	s0 =	rddreg [dreg:$0x0];
	s2 =	stileid.u32  }
0x95: {  	s1 =	rddreg [dreg:$0x1];
	p0 =	sne.s32 s2, $0x0  }
0x96: {  	s3 =	rddreg [dreg:$0x2];
	[bflag:$0x3] =	sbarrier.arrive $0xFFFF;
	s2 =	simm.s32 @!p0 $0x1C05  }
0x97: {  	[timem:s3], [sflag:s2] =	dma.local @!p0 [hbm:s0], s1  }
0x98: {  	s0 =	simm.s32 @!p0 $0x5  }
0x99: {  	_ =	swait.ge @!p0 [sflag:s0], s1  }
0x9a: {  	s1 =	ssub.s32 @!p0 $0x0, s1;
	[sflag:s0] =	ssyncset.done @!p0 $0x0  }
0x9b: {  	[sflag:s0] =	ssyncadd.s32 @!p0 s1  }
0x9c: {  	[bflag:$0x3] =	sbarrier.arrive $0xFFFF  }
0x9d: {  	_ =	shalt  }

// kernel: kernel.7.cloned.1.call-start
scs
__scs_entry_jumppad:
0x0: {  	(pc) =	sbr.rel $0x88, $3  }
0x1: {  	(tag) =	ssettag $0x0;
	lr =	simm.s32 $0x1  }
0x2: {  	[smem:$0x3F92] =	sst lr;
	_ =	strace $0xD0000000  }
0x3: {  	_ = 	snop  }
0x4: {  	_ = 	snop  }
0x5: {  	_ = 	snop  }
0x6: {  	_ = 	snop  }
0x7: {  	_ = 	snop  }
__scs_overlays_trampoline_lowered:
0x8: {  	[smem:$0x3FA1] =	sst s0  }
0x9: {  	[smem:$0x3FA2] =	sst s1  }
0xa: {  	[smem:$0x3FA3] =	sst s2  }
0xb: {  	[smem:$0x3FA4] =	sst s3  }
0xc: {  	[smem:$0x3FA5] =	sst s4  }
0xd: {  	[smem:$0x3FA6] =	sst s5  }
0xe: {  	[smem:$0x3FA7] =	sst s6  }
0xf: {  	[smem:$0x3FA8] =	sst s7  }
0x10: {  	[smem:$0x3FA9] =	sst s8  }
0x11: {  	[smem:$0x3FAA] =	sst s9;
	s0 =	simm.s32 @!p0 $0x0  }
0x12: {  	s1 =	sld [smem:$0x3F90];
	s0 =	simm.s32 @p0 $0x1  }
0x13: {  	[smem:$0x3FAB] =	sst s0;
	s0 =	simm.s32 @!p1 $0x0  }
0x14: {  	s2 =	sld [smem:$0x3F8F];
	s0 =	simm.s32 @p1 $0x1  }
0x15: {  	[smem:$0x3FAC] =	sst s0;
	s0 =	simm.s32 @!p2 $0x0  }
0x16: {  	s3 =	sld [smem:$0x3FDB];
	s0 =	simm.s32 @p2 $0x1  }
0x17: {  	s4 =	simm.s32 $0x1BF5;
	[smem:$0x3FAE] =	sst s0  }
0x18: {  	s0 =	sld [smem:$0x3F91];
	_ =	swait.ge [sflag:s4], $0x0  }
0x19: {  	s7 =	sld [smem:$0x3F92]  }
0x1a: {  	s8 =	sadd.s32 $0xFFFFE003, lr  }
0x1b: {  	s9 =	sadd.s32 $0xFFFFFEF7, lr;
	s5 =	simm.s32 $0xFFFFFFFF;
	p2 =	slt.u32 s8, $0xFFFFF086  }
0x1c: {  	p1 =	slt.u32 s9, $0xF7A;
	s5 =	simm.s32 @!p2 $0x0  }
0x1d: {  	s5 =	simm.s32 @p1 $0x1;
	p0 =	seq.s32 s7, s2  }
0x1e: {  	s7 =	smul.u32 @!p0 $0xF7A, s2;
	p2 =	seq.s32 @!p0 s5, $0x0  }
0x1f: {  	s9 =	smul.u32 $0xF7A, s1;
	s8 =	simm.s32 @!p0 $0x1BF5;
	p2 =	por !p2, p0  }
0x20: {  	[sflag:s8] =	ssyncset.s32 @!p0 $0xFFFFF086;
	s6 =	sadd.s32 @!p0 s3, s7;
	s7 =	simm.s32 @!p0 $0x108  }
0x21: {  	s3 =	sadd.s32 s3, s9;
	s6 =	sadd.s32 @!p0 $0x88, s6;
	s7 =	simm.s32 @p2 $0x1082  }
0x22: {  	[simem:s7], [sflag:s8] =	dma.local @!p0 [hbm:s6], $0xF7A  }
0x23: {  	s9 =	sor.u32 $0xD0000000, s2;
	s6 =	simm.s32 $0x108;
	_ =	swait.ge @!p0 [sflag:s8], $0x0  }
0x24: {  	s3 =	sadd.s32 $0x88, s3;
	s6 =	simm.s32 @!p1 $0x1082;
	[sflag:s4] =	ssyncset.s32 $0xFFFFF086  }
0x25: {  	[simem:s6], [sflag:s4] =	dma.local [hbm:s3], $0xF7A  }
0x26: {  	[smem:$0x3F92] =	sst s1;
	(tag) =	ssettag s2;
	_ =	strace s9  }
0x27: {  	s1 =	sld [smem:$0x3FA2]  }
0x28: {  	s2 =	sld [smem:$0x3FA3]  }
0x29: {  	s4 =	sld [smem:$0x3FA5]  }
0x2a: {  	p0 =	seq.s32 s5, $0x0;
	s5 =	sld [smem:$0x3FA6]  }
0x2b: {  	s6 =	sld [smem:$0x3FA7]  }
0x2c: {  	s7 =	sld [smem:$0x3FA8]  }
0x2d: {  	s3 =	simm.s32 $0x108;
	s8 =	sld [smem:$0x3FA9]  }
0x2e: {  	s3 =	simm.s32 @!p0 $0x1082;
	s9 =	sld [smem:$0x3FAA]  }
0x2f: {  	lr =	sadd.s32 s0, s3;
	s0 =	sld [smem:$0x3FA1]  }
0x30: {  	s3 =	sld [smem:$0x3FA4]  }
0x31: {  	[smem:$0x3FAD] =	sst s10  }
0x32: {  	s10 =	sld [smem:$0x3FAB];
	_ =	sdelay $0x3  }
0x33: {  	p0 =	seq.s32 s10, $0x1;
	s10 =	sld [smem:$0x3FAD];
	_ =	sdelay $0x3  }
0x34: {  	[smem:$0x3FAD] =	sst s10  }
0x35: {  	s10 =	sld [smem:$0x3FAC];
	_ =	sdelay $0x3  }
0x36: {  	p1 =	seq.s32 s10, $0x1;
	s10 =	sld [smem:$0x3FAD];
	_ =	sdelay $0x3  }
0x37: {  	[smem:$0x3FAD] =	sst s10  }
0x38: {  	s10 =	sld [smem:$0x3FAE]  }
0x39: {  	_ = 	snop;
	(pc) =	sbr.ind lr, $3  }
0x3a: {  	_ = 	snop  }
0x3b: {  	_ = 	snop  }
0x3c: {  	p2 =	seq.s32 s10, $0x1;
	s10 =	sld [smem:$0x3FAD]  }
0x3d: {  	_ =	shalt  }
0x3e: {  	_ =	shalt  }
0x3f: {  	_ =	shalt  }
0x40: {  	_ =	shalt  }
0x41: {  	_ =	shalt  }
0x42: {  	_ =	shalt  }
0x43: {  	_ =	shalt  }
0x44: {  	_ =	shalt  }
0x45: {  	_ =	shalt  }
0x46: {  	_ =	shalt  }
0x47: {  	_ =	shalt  }
0x48: {  	_ =	shalt  }
0x49: {  	_ =	shalt  }
0x4a: {  	_ =	shalt  }
0x4b: {  	_ =	shalt  }
0x4c: {  	_ =	shalt  }
0x4d: {  	_ =	shalt  }
0x4e: {  	_ =	shalt  }
0x4f: {  	_ =	shalt  }
0x50: {  	_ =	shalt  }
0x51: {  	_ =	shalt  }
0x52: {  	_ =	shalt  }
0x53: {  	_ =	shalt  }
0x54: {  	_ =	shalt  }
0x55: {  	_ =	shalt  }
0x56: {  	_ =	shalt  }
0x57: {  	_ =	shalt  }
0x58: {  	_ =	shalt  }
0x59: {  	_ =	shalt  }
0x5a: {  	_ =	shalt  }
0x5b: {  	_ =	shalt  }
0x5c: {  	_ =	shalt  }
0x5d: {  	_ =	shalt  }
0x5e: {  	_ =	shalt  }
0x5f: {  	_ =	shalt  }
0x60: {  	_ =	shalt  }
0x61: {  	_ =	shalt  }
0x62: {  	_ =	shalt  }
0x63: {  	_ =	shalt  }
0x64: {  	_ =	shalt  }
0x65: {  	_ =	shalt  }
0x66: {  	_ =	shalt  }
0x67: {  	_ =	shalt  }
0x68: {  	_ =	shalt  }
0x69: {  	_ =	shalt  }
0x6a: {  	_ =	shalt  }
0x6b: {  	_ =	shalt  }
0x6c: {  	_ =	shalt  }
0x6d: {  	_ =	shalt  }
0x6e: {  	_ =	shalt  }
0x6f: {  	_ =	shalt  }
0x70: {  	_ =	shalt  }
0x71: {  	_ =	shalt  }
0x72: {  	_ =	shalt  }
0x73: {  	_ =	shalt  }
0x74: {  	_ =	shalt  }
0x75: {  	_ =	shalt  }
0x76: {  	_ =	shalt  }
0x77: {  	_ =	shalt  }
0x78: {  	_ =	shalt  }
0x79: {  	_ =	shalt  }
0x7a: {  	_ =	shalt  }
0x7b: {  	_ =	shalt  }
0x7c: {  	_ =	shalt  }
0x7d: {  	_ =	shalt  }
0x7e: {  	_ =	shalt  }
0x7f: {  	_ =	shalt  }
0x80: {  	_ =	shalt  }
0x81: {  	_ =	shalt  }
0x82: {  	_ =	shalt  }
0x83: {  	_ =	shalt  }
0x84: {  	_ =	shalt  }
0x85: {  	_ =	shalt  }
0x86: {  	_ =	shalt  }
0x87: {  	_ =	shalt  }
.Lfunc_end0:
.L_simem_size_0:
called_computation_lowered:
.L_overlay_start_0:
0x88: {  	s2 =	sld [smem:$0x3FD9]  }
0x89: {  	s3 =	sld [smem:$0x3FFE];
	_ =	sdelay $0x1  }
0x8a: {  	s1 =	srdreg.scid  }
0x8b: {  	s0 =	sand.u32 $0x1, s1  }
0x8c: {  	s17 =	sshll.u32 s0, $0xA;
	s2 =	sadd.s32 s3, s2  }
0x8d: {  	s2 =	sadd.s32 s2, s17  }
0x8e: {  	[smem:$0x3FB9] =	sst s2  }
0x8f: {  	_ = 	snop  }
0x90: {  	s2 =	sld [smem:$0x3FD0];
	(tm) =	ssettm $0x1  }
0x91: {  	s18 =	sld [smem:$0x3FFB];
	_ =	sdelay $0x3  }
0x92: {  	_ =	strace s18  }
0x93: {  	s3 =	sld [smem:$0x3FFC];
	_ =	sdelay $0x3  }
0x94: {  	_ =	strace s3  }
0x95: {  	s3 =	sld [smem:$0x3FFD];
	_ =	sdelay $0x3  }
0x96: {  	_ =	strace s3  }
0x97: {  	_ =	strace $0x8FFFFFFF  }
0x98: {  	s19 =	sld [smem:$0x3FDB];
	_ =	sdelay $0x1  }
0x99: {  	s4 =	simm.s32 $_scs_section_size  }
0x9a: {  	s5 =	simm.s32 $_size__tile_overlayer_lowered;
	s6 =	simm.s32 $_tile_overlayer_lowered  }
0x9b: {  	s22 =	simm.s32 $0x1BFF;
	s21 =	sshll.u32 s6, $0x1;
	s3 =	sadd.s32 s4, s19  }
0x9c: {  	s7 =	simm.s32 $0x0;
	s20 =	sshll.u32 s5, $0x1;
	s5 =	sadd.s32 s21, s3  }
0x9d: {  	[timem:s7], [sflag:s22] =	dma.local [hbm:s5], s20  }
0x9e: {  	_ =	swait.ge [sflag:s22], s20  }
0x9f: {  	s4 =	ssub.s32 $0x0, s20;
	[sflag:s22] =	ssyncset.done $0x0  }
0xa0: {  	[sflag:s22] =	ssyncadd.s32 s4;
	_ =	sdelay $0x1  }
0xa1: {  	s23 =	simm.s32 $0x1B8B  }
0xa2: {  	_ =	swait.ge [sflag:s23], $0x1  }
0xa3: {  	[sflag:s23] =	ssyncset.done $0x0  }
0xa4: {  	s25 =	simm.s32 $0x1B8E;
	s24 =	sld [smem:$0x3FFE];
	[sflag:s23] =	ssyncadd.s32 $0xFFFFFFFF  }
0xa5: {  	s26 =	simm.s32 $execute0_lowered;
	[smem:$0x3FD2] =	sst s25  }
0xa6: {  	s5 =	sshll.u32 s26, $0x1;
	_ =	strace $0x80000046;
	[dreg:$0x1] =	wrdreg $0xFFFFFFFF  }
0xa7: {  	s28 =	simm.s32 $_size_execute0_lowered;
	s3 =	sadd.s32 s3, s5;
	[dreg:$0x0] =	wrdreg $0x0  }
0xa8: {  	s5 =	sshll.u32 s28, $0x1;
	[dreg:$0x2] =	wrdreg s3  }
0xa9: {  	[dreg:$0x3] =	wrdreg s5  }
0xaa: {  	[dreg:$0x4] =	wrdreg $0xC0  }
0xab: {  	_ =	task [dreg:s7], $0x5FFFF  }
0xac: {  	[dreg:$0x1] =	wrdreg $0xFFFFFFFF  }
0xad: {  	[dreg:$0x0] =	wrdreg $0x60  }
0xae: {  	[dreg:$0x2] =	wrdreg s24  }
0xaf: {  	[dreg:$0x3] =	wrdreg s2  }
0xb0: {  	[dreg:$0x4] =	wrdreg $0xA9000  }
0xb1: {  	[dreg:$0x5] =	wrdreg $0x9  }
0xb2: {  	_ =	task.clear_ibuf [dreg:s7], $0x6FFFF;
	_ =	strace $0x90000046  }
0xb3: {  	s29 =	simm.s32 $0x9;
	_ =	strace $0x80000048  }
0xb4: {  	_ =	swait.ge [sflag:s29], $0x1  }
0xb5: {  	[sflag:s29] =	ssyncadd.s32 $0xFFFFFFFF  }
0xb6: {  	_ =	strace $0x90000048  }
0xb7: {  	_ =	sfence  }
0xb8: {  	s30 =	sld [smem:$0x0];
	_ =	sdelay $0x2  }
0xb9: {  	s31 =	sshll.u32 s1, $0xD;
	s1 =	sshrl.u32 s1, $0x2  }
0xba: {  	s3 =	sand.u32 $0x4000, s31;
	s1 =	sadd.s32 s1, s30  }
0xbb: {  	s0 =	sor.u32 s3, s0;
	s1 =	sshll.u32 s1, $0x11  }
0xbc: {  	s0 =	sor.u32 s1, s0  }
0xbd: {  	s0 =	sadd.s32 $0x8F2B, s0  }
0xbe: {  	[sflag:s0] =	ssyncadd.remote.s32 $0x1  }
0xbf: {  	_ =	sfence.sel $0xFFFF  }
0xc0: {  	[dreg:$0x0] =	wrdreg $0xFFFFFFFF;
	(pc) =	sbr.abs _section_cstart, $3  }
0xc1: {  	[dreg:$0x1] =	wrdreg $0xFFFFFFFF  }
0xc2: {  	_ =	task.clear_ibuf [dreg:s7], $0x2FFFF;
	_ =	strace $0x9FFFFFFF  }
0xc3: {  	(tm) =	ssettm $0x7FFFFFFF  }
tec
execute0_lowered:
.L_overlay_start_1:
0x0: {  	(tag) =	ssettag $0x1  }
0x1: {  	s0 =	srdreg.scid;
	s5 =	rddreg [dreg:$0x0]  }
0x2: {  	s6 =	rddreg [dreg:$0x1];
	s20 =	stileid.u32  }
0x3: {  	s1 =	rddreg [dreg:$0x2];
	s16 =	simm.s32 $0x5;
	s17 =	simm.s32 $0x80  }
0x4: {  	s18 =	simm.s32 $0x2900;
	s19 =	simm.s32 $0x2780;
	s11 =	smul.u32 $0x4E000, s20  }
0x5: {  	s29 =	simm.s32 $0x2880;
	s30 =	simm.s32 $0x10;
	s23 =	smul.u32 $0x13800, s20  }
0x6: {  	s0 =	sand.u32 $0x1, s0;
	s25 =	sadd.s32 $0x138000, s1;
	s14 =	smul.u32 $0x2710, s20  }
0x7: {  	p0 =	sne.s32 s20, $0x0;
	s31 =	sshll.u32 s20, $0x6;
	s21 =	smul.u32 $0x138800, s0  }
0x8: {  	s2 =	sshll.u32 s0, $0x4;
	s9 =	ssub.s32 $0x2, s0;
	s0 =	smul.u32 $0x27100, s0  }
0x9: {  	s3 =	sor.u32 s20, s2;
	s2 =	simm.s32 $0x0;
	s10 =	sshrl.u32 s9, $0x1  }
0xa: {  	s22 =	sshrl.u32 s11, $0x2;
	s20 =	sor.u32 $0x1C05, s31;
	s4 =	smul.u32 $0x2710, s3  }
0xb: {  	[smem:$0x7FF] =	sst s2;
	s3 =	sadd.s32 $0xCA00, s5;
	s12 =	ssub.s32 s9, s10  }
0xc: {  	s26 =	sadd.s32 s23, s21;
	s15 =	sshrl.u32 s21, $0x3;
	s0 =	sadd.s32 s14, s0  }
0xd: {  	s21 =	simm.s32 $0x1;
	s23 =	simm.s32 $0x6900;
	_ =	strace $0x80000047  }
0xe: {  	[dreg:$0x7] =	wrdreg s25;
	s11 =	sshrl.u32 s26, $0x3;
	s28 =	sadd.s32 $0x4E280, s0  }
0xf: {  	s0 =	sadd.s32 $0x4E300, s0;
	s12 =	smax.u32 s12, $0x1;
	s25 =	simm.s32 $0x2  }
0x10: {  	s26 =	simm.s32 $0x4;
	s7 =	sshrl.u32 s4, $0x3;
	s4 =	sadd.s32 $0x16C400, s5  }
0x11: {  	s0 =	sshrl.u32 s0, $0x3;
	s8 =	sadd.s32 s7, s5;
	s5 =	sadd.s32 $0x16EC00, s5  }
0x12: {  	s13 =	sadd.s32 s6, s7;
	s7 =	sadd.s32 s22, s1;
	s22 =	simm.s32 $0x3  }
0x13: {  	s8 =	sadd.s32 $0x2C00, s8;
	s24 =	sadd.s32 $0x9C40, s13;
	[dreg:$0x6] =	wrdreg s7  }
0x14: {  	s9 =	sadd.s32 $0xA120, s13;
	s10 =	sadd.s32 s5, s11;
	s5 =	sadd.s32 s5, s15  }
0x15: {  	s13 =	sadd.s32 $0xA110, s13;
	s15 =	sadd.s32 s0, s6;
	s0 =	simm.s32 $0x0  }
0x16: {  	[dreg:$0x4] =	wrdreg s8;
	s11 =	sadd.s32 $0x27000, s5;
	s5 =	sshrl.u32 s28, $0x3  }
0x17: {  	[dreg:$0x5] =	wrdreg s24;
	s24 =	simm.s32 $0x2800;
	s14 =	sadd.s32 s5, s6  }
.LBB2_1:
0x18: {  	s5 =	rddreg [dreg:$0x4]  }
0x19: {  	[tilespmem:s2], [sflag:$0x5] =	stream.linear.gather [hbm4b:s5+s2], $0x2710, $0x38;
	[tilespmem:$0x1E180] =	vst v63  }
0x1a: {  	_ =	swait.ge [sflag:s16], $0x2710  }
0x1b: {  	[sflag:s16] =	ssyncset.done $0x0  }
0x1c: {  	s8 =	rddreg [dreg:$0x6];
	[sflag:s16] =	ssyncadd.s32 $0xFFFFD8F0  }
0x1d: {  	[tilespmem:s18], [sflag:$0x1] =	stream.indirect.gather [hbm4b:s3+s17], $0x80, s2, s17, $0xb8;
	[tilespmem:$0x1E180] =	vst v63  }
0x1e: {  	s7 =	rddreg [dreg:$0x5];
	s28 =	sshrl.u32 s8, $0x3  }
0x1f: {  	[tilespmem:s19], [sflag:$0x3] =	stream.linear.gather [hbm4b:s7+s2], $0x80, $0x38;
	[tilespmem:$0x1E180] =	vst v63  }
0x20: {  	[spmem:s28], [sflag:s20] =	dma.local [hbm:s4], $0x2700  }
0x21: {  	_ =	swait.ge [sflag:s16], $0x2700  }
0x22: {  	[sflag:s16] =	ssyncset.done $0x0;
	s5 =	rddreg [dreg:$0x7]  }
0x23: {  	[sflag:s16] =	ssyncadd.s32 $0xFFFFD900;
	s31 =	sshrl.u32 @!p0 s5, $0x3;
	s5 =	simm.s32 @!p0 $0x5  }
0x24: {  	[spmem:s31], [sflag:s20] =	dma.local @!p0 [hbm:s4], $0x100  }
0x25: {  	_ =	swait.ge @!p0 [sflag:s5], $0x100  }
0x26: {  	[sflag:s5] =	ssyncset.done @!p0 $0x0  }
0x27: {  	[sflag:s5] =	ssyncadd.s32 @!p0 $0xFFFFFF00  }
0x28: {  	[bflag:$0x0] =	sbarrier.arrive $0xFFFF  }
0x29: {  	_ =	swait.ge [sflag:s21], $0x4000  }
0x2a: {  	[sflag:s21] =	ssyncset.done $0x0  }
0x2b: {  	[sflag:s21] =	ssyncadd.s32 $0xFFFFC000  }
0x2c: {  	_ =	swait.ge [sflag:s22], $0x80  }
0x2d: {  	[sflag:s22] =	ssyncset.done $0x0  }
0x2e: {  	[sflag:s22] =	ssyncadd.s32 $0xFFFFFF80  }
0x2f: {  	[tilespmem:s23], [sflag:$0x2] =	stream.indirect.gather [hbm4b:s3+s17], $0x80, s17, s17, $0xb8;
	[tilespmem:$0x1E180] =	vst v63  }
0x30: {  	s6 =	sadd.s32 $0x0, s14  }
0x31: {  	[tilespmem:s24], [sflag:$0x4] =	stream.linear.gather [hbm4b:s6+s2], $0x80, $0x38;
	[tilespmem:$0x1E180] =	vst v63  }
0x32: {  	_ = 	snop  }
0x33: {  	[spmem:s1] =	stream.indirect.scatter.add.f32 [tilespmem:s18], [sflag:$0x5], $0x80, s19, s17, $0xb8;
	[tilespmem:$0x1E180] =	vst v63  }
0x34: {  	_ =	swait.ge [sflag:s16], $0x4000  }
0x35: {  	[sflag:s16] =	ssyncset.done $0x0  }
0x36: {  	s7 =	simm.s32 $0x100;
	[sflag:s16] =	ssyncadd.s32 $0xFFFFC000  }
0x37: {  	[tilespmem:s18], [sflag:$0x1] =	stream.indirect.gather [hbm4b:s3+s17], $0x80, s7, s17, $0xb8;
	[tilespmem:$0x1E180] =	vst v63  }
0x38: {  	s8 =	sadd.s32 $0x0, s15  }
0x39: {  	[tilespmem:s19], [sflag:$0x3] =	stream.linear.gather [hbm4b:s8+s2], $0x80, $0x38;
	[tilespmem:$0x1E180] =	vst v63  }
0x3a: {  	_ =	swait.ge [sflag:s25], $0x4000  }
0x3b: {  	[sflag:s25] =	ssyncset.done $0x0  }
0x3c: {  	[sflag:s25] =	ssyncadd.s32 $0xFFFFC000  }
0x3d: {  	_ =	swait.ge [sflag:s26], $0x80  }
0x3e: {  	[sflag:s26] =	ssyncset.done $0x0  }
0x3f: {  	[sflag:s26] =	ssyncadd.s32 $0xFFFFFF80  }
0x40: {  	[spmem:s1] =	stream.indirect.scatter.add.f32 [tilespmem:s23], [sflag:$0x5], $0x80, s24, s17, $0xb8;
	[tilespmem:$0x1E180] =	vst v63  }
0x41: {  	_ =	swait.ge [sflag:s16], $0x4000  }
0x42: {  	s5 =	simm.s32 $0x20;
	s6 =	simm.s32 $0x80;
	[sflag:s16] =	ssyncset.done $0x0  }
.LBB2_2:
0x43: {  	p1 =	sne.s32 s5, $0x4A0;
	[sflag:s16] =	ssyncadd.s32 $0xFFFFC000;
	s6 =	sadd.s32 $0x100, s6  }
0x44: {  	s7 =	smov.u32 s5;
	s5 =	sadd.s32 $0x20, s5;
	_ =	swait.ge [sflag:s21], $0x4000  }
0x45: {  	[sflag:s21] =	ssyncset.done $0x0  }
0x46: {  	[sflag:s21] =	ssyncadd.s32 $0xFFFFC000  }
0x47: {  	_ =	swait.ge [sflag:s22], $0x80  }
0x48: {  	[sflag:s22] =	ssyncset.done $0x0  }
0x49: {  	[sflag:s22] =	ssyncadd.s32 $0xFFFFFF80  }
0x4a: {  	[tilespmem:s23], [sflag:$0x2] =	stream.indirect.gather [hbm4b:s3+s17], $0x80, s6, s17, $0xb8;
	[tilespmem:$0x1E180] =	vst v63  }
0x4b: {  	s8 =	sadd.s32 s7, s14  }
0x4c: {  	[tilespmem:s24], [sflag:$0x4] =	stream.linear.gather [hbm4b:s8+s2], $0x80, $0x38;
	[tilespmem:$0x1E180] =	vst v63  }
0x4d: {  	_ = 	snop  }
0x4e: {  	[spmem:s1] =	stream.indirect.scatter.add.f32 [tilespmem:s18], [sflag:$0x5], $0x80, s19, s17, $0xb8;
	[tilespmem:$0x1E180] =	vst v63  }
0x4f: {  	_ =	swait.ge [sflag:s16], $0x4000  }
0x50: {  	[sflag:s16] =	ssyncset.done $0x0  }
0x51: {  	s8 =	sadd.s32 $0x80, s6;
	[sflag:s16] =	ssyncadd.s32 $0xFFFFC000  }
0x52: {  	[tilespmem:s18], [sflag:$0x1] =	stream.indirect.gather [hbm4b:s3+s17], $0x80, s8, s17, $0xb8;
	[tilespmem:$0x1E180] =	vst v63  }
0x53: {  	s7 =	sadd.s32 s7, s15  }
0x54: {  	[tilespmem:s19], [sflag:$0x3] =	stream.linear.gather [hbm4b:s7+s2], $0x80, $0x38;
	[tilespmem:$0x1E180] =	vst v63  }
0x55: {  	_ =	swait.ge [sflag:s25], $0x4000  }
0x56: {  	[sflag:s25] =	ssyncset.done $0x0  }
0x57: {  	[sflag:s25] =	ssyncadd.s32 $0xFFFFC000  }
0x58: {  	_ =	swait.ge [sflag:s26], $0x80  }
.Ltmp0:
0x59: {  	[sflag:s26] =	ssyncset.done $0x0;
	(pc) =	sbr.rel @p1 .LBB2_2-.Ltmp0, $4  }
0x5a: {  	[sflag:s26] =	ssyncadd.s32 $0xFFFFFF80  }
0x5b: {  	[spmem:s1] =	stream.indirect.scatter.add.f32 [tilespmem:s23], [sflag:$0x5], $0x80, s24, s17, $0xb8;
	[tilespmem:$0x1E180] =	vst v63  }
0x5c: {  	_ =	swait.ge [sflag:s16], $0x4000  }
0x5d: {  	[sflag:s16] =	ssyncset.done $0x0  }
0x5e: {  	[sflag:s16] =	ssyncadd.s32 $0xFFFFC000  }
0x5f: {  	_ =	swait.ge [sflag:s21], $0x4000  }
0x60: {  	[sflag:s21] =	ssyncset.done $0x0  }
0x61: {  	[sflag:s21] =	ssyncadd.s32 $0xFFFFC000  }
0x62: {  	_ =	swait.ge [sflag:s22], $0x80  }
0x63: {  	[sflag:s22] =	ssyncset.done $0x0  }
0x64: {  	s5 =	simm.s32 $0x2680;
	[sflag:s22] =	ssyncadd.s32 $0xFFFFFF80  }
0x65: {  	[tilespmem:s23], [sflag:$0x2] =	stream.indirect.gather [hbm4b:s3+s17], $0x80, s5, s17, $0xb8;
	[tilespmem:$0x1E180] =	vst v63  }
0x66: {  	_ = 	snop  }
0x67: {  	[tilespmem:s24], [sflag:$0x4] =	stream.linear.gather [hbm4b:s13+s2], $0x80, $0x38;
	[tilespmem:$0x1E180] =	vst v63  }
0x68: {  	_ = 	snop  }
0x69: {  	[spmem:s1] =	stream.indirect.scatter.add.f32 [tilespmem:s18], [sflag:$0x5], $0x80, s19, s17, $0xb8;
	[tilespmem:$0x1E180] =	vst v63  }
0x6a: {  	_ =	swait.ge [sflag:s16], $0x4000  }
0x6b: {  	[sflag:s16] =	ssyncset.done $0x0  }
0x6c: {  	[sflag:s16] =	ssyncadd.s32 $0xFFFFC000  }
0x6d: {  	_ =	swait.ge [sflag:s25], $0x4000  }
0x6e: {  	[sflag:s25] =	ssyncset.done $0x0  }
0x6f: {  	[sflag:s25] =	ssyncadd.s32 $0xFFFFC000  }
0x70: {  	_ =	swait.ge [sflag:s26], $0x80  }
0x71: {  	[sflag:s26] =	ssyncset.done $0x0  }
0x72: {  	[sflag:s26] =	ssyncadd.s32 $0xFFFFFF80  }
0x73: {  	[spmem:s1] =	stream.indirect.scatter.add.f32 [tilespmem:s23], [sflag:$0x5], $0x80, s24, s17, $0xb8;
	[tilespmem:$0x1E180] =	vst v63  }
0x74: {  	_ =	swait.ge [sflag:s16], $0x4000  }
0x75: {  	[sflag:s16] =	ssyncset.done $0x0  }
0x76: {  	[sflag:s16] =	ssyncadd.s32 $0xFFFFC000  }
0x77: {  	[tilespmem:s29], [sflag:$0x5] =	stream.linear.gather [hbm4b:s9+s2], $0x10, $0x38;
	[tilespmem:$0x1E180] =	vst v63  }
0x78: {  	_ =	swait.ge [sflag:s16], $0x10  }
0x79: {  	[sflag:s16] =	ssyncset.done $0x0  }
0x7a: {  	s8 =	simm.s32 $0x2700;
	[sflag:s16] =	ssyncadd.s32 $0xFFFFFFF0  }
0x7b: {  	[tilespmem:s18], [sflag:$0x1] =	stream.indirect.gather [hbm4b:s3+s30], $0x80, s8, s30, $0xb8;
	[tilespmem:$0x1E180] =	vst v63  }
0x7c: {  	_ =	swait.ge [sflag:s21], $0x800  }
0x7d: {  	[sflag:s21] =	ssyncset.done $0x0  }
0x7e: {  	[sflag:s21] =	ssyncadd.s32 $0xFFFFF800  }
0x7f: {  	[spmem:s1] =	stream.indirect.scatter.add.f32 [tilespmem:s18], [sflag:$0x5], $0x80, s29, s30, $0xb8;
	[tilespmem:$0x1E180] =	vst v63  }
0x80: {  	_ =	swait.ge [sflag:s16], $0x800  }
0x81: {  	[sflag:s16] =	ssyncset.done $0x0  }
0x82: {  	[sflag:s16] =	ssyncadd.s32 $0xFFFFF800  }
0x83: {  	[bflag:$0x0] =	sbarrier.arrive $0xFFFF  }
0x84: {  	[hbm:s10], [sflag:s20] =	dma.local [spmem:s28], $0x2700  }
0x85: {  	s0 =	sadd.s32 $0x1, s0;
	_ =	swait.ge [sflag:s16], $0x2700  }
0x86: {  	p1 =	sne.s32 s0, s12;
	[sflag:s16] =	ssyncset.done $0x0  }
.Ltmp1:
0x87: {  	s5 =	simm.s32 @!p0 $0x5;
	[sflag:s16] =	ssyncadd.s32 $0xFFFFD900;
	(pc) =	sbr.rel @p1 .LBB2_1-.Ltmp1, $4  }
0x88: {  	[hbm:s11], [sflag:s20] =	dma.local @!p0 [spmem:s31], $0x100  }
0x89: {  	_ =	swait.ge @!p0 [sflag:s5], $0x100  }
0x8a: {  	[sflag:s5] =	ssyncset.done @!p0 $0x0  }
0x8b: {  	[sflag:s5] =	ssyncadd.s32 @!p0 $0xFFFFFF00  }
0x8c: {  	_ =	sfence.sel $0x180000  }
0x8d: {  	[bflag:$0x0] =	sbarrier.arrive $0xFFFF  }
0x8e: {  	_ =	strace $0x90000047  }
0x8f: {  	[bflag:$0x2] =	sbarrier.arrive $0xFFFF  }
0x90: {  	s0 =	rddreg [dreg:$0x3]  }
0x91: {  	s0 =	sadd.s32 @!p0 $0x100000, s0  }
0x92: {  	[sflag:s0] =	ssyncadd.tile.s32 @!p0 $0x1;
	_ =	shalt  }
.Lfunc_end2:
_tile_overlayer_lowered:
.L_overlay_start_2:
0x93: {  	(tag) =	ssettag $0x2  }
0x94: {  	s0 =	rddreg [dreg:$0x0];
	s2 =	stileid.u32  }
0x95: {  	s1 =	rddreg [dreg:$0x1];
	p0 =	sne.s32 s2, $0x0  }
0x96: {  	s3 =	rddreg [dreg:$0x2];
	[bflag:$0x3] =	sbarrier.arrive $0xFFFF;
	s2 =	simm.s32 @!p0 $0x1C05  }
0x97: {  	[timem:s3], [sflag:s2] =	dma.local @!p0 [hbm:s0], s1  }
0x98: {  	s0 =	simm.s32 @!p0 $0x5  }
0x99: {  	_ =	swait.ge @!p0 [sflag:s0], s1  }
0x9a: {  	s1 =	ssub.s32 @!p0 $0x0, s1;
	[sflag:s0] =	ssyncset.done @!p0 $0x0  }
0x9b: {  	[sflag:s0] =	ssyncadd.s32 @!p0 s1  }
0x9c: {  	[bflag:$0x3] =	sbarrier.arrive $0xFFFF  }
0x9d: {  	_ =	shalt  }

</sc_bundles>
